<compile_context>
chip_gen: v7x
topology: tpu7x:2x2x1
jax: 0.10.2.dev20260603
libtpu: 0.0.44.dev20260713+nightly
codegen_flags: <defaults>
</compile_context>

<pallas_src>
import functools
import math

import numpy as np
import jax
import jax.numpy as jnp
from jax import lax
from jax.experimental import pallas as pl
from jax.experimental.pallas import tpu as pltpu
from jax.experimental.pallas import tpu_sc as plsc

_FACTOR = 1


@functools.lru_cache(maxsize=None)
def _dft_mats(L: int, FP: int):
    F = L // 2 + 1
    f = np.arange(FP, dtype=np.int64)[:, None]
    t = np.arange(L, dtype=np.int64)[None, :]
    ang = 2.0 * np.pi * ((f * t) % L).astype(np.float64) / L
    valid = (f < F).astype(np.float64)
    cr = (np.cos(ang) * valid).astype(np.float32)
    ci = (-np.sin(ang) * valid).astype(np.float32)
    alpha = np.where((f == 0) | (f == L // 2), 1.0, 2.0) * valid
    dr = ((np.cos(ang) * alpha / L).T).astype(np.float32)
    di = ((-np.sin(ang) * alpha / L).T).astype(np.float32)
    return cr, ci, dr, di


def _split_bf16(x):
    hi = x.astype(jnp.bfloat16)
    lo = (x - hi.astype(jnp.float32)).astype(jnp.bfloat16)
    return hi, lo


def _mm3(ah, al, bh, bl):
    f32 = jnp.float32
    return (jnp.dot(ah, bh, preferred_element_type=f32)
            + jnp.dot(ah, bl, preferred_element_type=f32)
            + jnp.dot(al, bh, preferred_element_type=f32))


def _mm3t(ah, al, bh, bl):
    f32 = jnp.float32
    dn = (((0,), (0,)), ((), ()))
    return (lax.dot_general(ah, bh, dn, preferred_element_type=f32)
            + lax.dot_general(ah, bl, dn, preferred_element_type=f32)
            + lax.dot_general(al, bh, dn, preferred_element_type=f32))


def _corr_topk_body(top_k, L, FP, CB, qth, kth,
                    mh0, mh1, mh2, mh3,
                    w_out, d_out,
                    s0, s1, s2, s3, sem):
    f32 = jnp.float32
    hbm_mats = [mh0, mh1, mh2, mh3]
    scr_mats = [s0, s1, s2, s3]

    @pl.when(pl.program_id(0) == 0)
    def _():
        cps = [pltpu.make_async_copy(src, dst, sem)
               for src, dst in zip(hbm_mats, scr_mats)]
        for cp in cps:
            cp.start()
        for cp in cps:
            cp.wait()

    crh, crl, cih, cil = (s[...] for s in scr_mats)
    qh, ql = _split_bf16(qth[...])
    kh, kl = _split_bf16(kth[...])
    qr = _mm3(crh, crl, qh, ql)
    qi = _mm3(cih, cil, qh, ql)
    kr = _mm3(crh, crl, kh, kl)
    ki = _mm3(cih, cil, kh, kl)
    fidx = lax.broadcasted_iota(jnp.int32, (FP, CB), 0)
    a = jnp.where((fidx == 0) | (fidx == L // 2), 1.0, 2.0).astype(f32)
    a = jnp.where(fidx <= L // 2, a, 0.0) * f32(1.0 / L)
    rr = (qr * kr + qi * ki) * a
    ri = (qi * kr - qr * ki) * a
    rrh, rrl = _split_bf16(rr)
    rih, ril = _split_bf16(ri)
    c = _mm3t(crh, crl, rrh, rrl) + _mm3t(cih, cil, rih, ril)

    iot = lax.broadcasted_iota(jnp.int32, (L, CB), 0)
    ws, ds = [], []
    for _i in range(top_k):
        mx = jnp.max(c, axis=0, keepdims=True)
        eq = c >= mx
        idx = jnp.min(jnp.where(eq, iot, L), axis=0, keepdims=True)
        ws.append(mx)
        ds.append(idx)
        c = jnp.where(iot == idx, f32(-3.0e38), c)
    w = jnp.concatenate(ws, axis=0)
    d = jnp.concatenate(ds, axis=0)
    m = jnp.max(w, axis=0, keepdims=True)
    e = jnp.exp(w - m)
    w = e / jnp.sum(e, axis=0, keepdims=True)
    pad = 16 - top_k
    w_out[...] = jnp.concatenate([w, jnp.zeros((pad, CB), f32)], axis=0)
    d_out[...] = jnp.concatenate(
        [d, jnp.zeros((pad, CB), jnp.int32)], axis=0)


@functools.lru_cache(maxsize=None)
def _dft_mats_split(L: int, FP: int):
    import ml_dtypes
    out = []
    for m in _dft_mats(L, FP)[:2]:
        hi = m.astype(ml_dtypes.bfloat16)
        lo = (m - hi.astype(np.float32)).astype(ml_dtypes.bfloat16)
        out.append(hi)
        out.append(lo)
    return tuple(out)


def _corr_topk(qth, kth, top_k, CB=256, FP=1152, interpret=False):
    L, C = qth.shape
    mats = _dft_mats_split(L, FP)
    body = functools.partial(_corr_topk_body, top_k, L, FP, CB)
    grid = (C // CB,)
    bf16 = jnp.bfloat16
    w16, d16 = pl.pallas_call(
        body,
        grid=grid,
        in_specs=[pl.BlockSpec((L, CB), lambda j: (0, j))] * 2
        + [pl.BlockSpec(memory_space=pltpu.MemorySpace.HBM)] * 4,
        out_specs=[
            pl.BlockSpec((16, CB), lambda j: (0, j)),
            pl.BlockSpec((16, CB), lambda j: (0, j)),
        ],
        out_shape=[
            jax.ShapeDtypeStruct((16, C), jnp.float32),
            jax.ShapeDtypeStruct((16, C), jnp.int32),
        ],
        scratch_shapes=[pltpu.VMEM((FP, L), bf16)] * 4
        + [pltpu.SemaphoreType.DMA],
        compiler_params=pltpu.CompilerParams(
            vmem_limit_bytes=63 * 1024 * 1024),
        interpret=interpret,
    )(qth, kth, *[jnp.asarray(m) for m in mats])
    return w16, d16


def _sc_agg(vt, wt, dt, top_k):
    C, L = vt.shape
    info = plsc.get_sparse_core_info()
    nw = info.num_cores * info.num_subcores
    cols_per = C // nw
    mesh = plsc.VectorSubcoreMesh(core_axis_name="c", subcore_axis_name="s")

    NBUF = 2

    @functools.partial(
        pl.kernel,
        out_type=jax.ShapeDtypeStruct((C, L), jnp.float32),
        mesh=mesh,
        scratch_types=[
            pltpu.VMEM((2 * L,), jnp.float32),
            pltpu.VMEM((2 * L,), jnp.float32),
            pltpu.VMEM((L,), jnp.float32),
            pltpu.VMEM((L,), jnp.float32),
            pltpu.VMEM((cols_per, 16), jnp.float32),
            pltpu.VMEM((cols_per, 16), jnp.int32),
            pltpu.SemaphoreType.DMA,
            pltpu.SemaphoreType.DMA,
            pltpu.SemaphoreType.DMA,
            pltpu.SemaphoreType.DMA,
        ],
    )
    def body(vt_hbm, wt_hbm, dt_hbm, out_hbm, vb0, vb1, ob0, ob1,
             wall, dall, si0, si1, so0, so1):
        vbufs = [vb0, vb1]
        obufs = [ob0, ob1]
        sin = [si0, si1]
        sout = [so0, so1]
        wid = lax.axis_index("s") * info.num_cores + lax.axis_index("c")
        base_col = wid * cols_per
        pltpu.sync_copy(wt_hbm.at[pl.ds(base_col, cols_per)], wall)
        pltpu.sync_copy(dt_hbm.at[pl.ds(base_col, cols_per)], dall)

        def in_copies(c0, b):
            return (
                pltpu.make_async_copy(
                    vt_hbm.at[c0], vbufs[b].at[pl.ds(0, L)], sin[b]),
                pltpu.make_async_copy(
                    vt_hbm.at[c0], vbufs[b].at[pl.ds(L, L)], sin[b]),
            )

        for b in range(NBUF):
            for cp in in_copies(base_col + b, b):
                cp.start()

        def outer(g, carry):
            for b in range(NBUF):
                j = g * NBUF + b
                c0 = base_col + j
                for cp in in_copies(c0, b):
                    cp.wait()

                @pl.when(g > 0)
                def _():
                    pltpu.make_async_copy(
                        obufs[b], out_hbm.at[c0 - NBUF], sout[b]).wait()

                wv = wall[j]
                dv = dall[j]
                wss = [wv[i] for i in range(top_k)]
                dss = [dv[i] for i in range(top_k)]
                vb = vbufs[b]
                ob = obufs[b]

                def vec_body(v, carry2):
                    base = v * 16
                    acc = wss[0] * vb[pl.ds(base + dss[0], 16)]
                    for i in range(1, top_k):
                        acc = acc + wss[i] * vb[pl.ds(base + dss[i], 16)]
                    ob[pl.ds(base, 16)] = acc
                    return carry2

                lax.fori_loop(0, L // 16, vec_body, 0, unroll=2)
                pltpu.async_copy(ob, out_hbm.at[c0], sout[b])

                @pl.when(j + NBUF < cols_per)
                def _():
                    for cp in in_copies(c0 + NBUF, b):
                        cp.start()

            return carry

        lax.fori_loop(0, cols_per // NBUF, outer, 0)
        for b in range(NBUF):
            pltpu.make_async_copy(
                obufs[b], out_hbm.at[base_col + cols_per - NBUF + b],
                sout[b]).wait()

    return body(vt, wt, dt)


def kernel(Q, K, V):
    B, H, L, D = Q.shape
    C = B * H * D
    top_k = int(_FACTOR * math.log(L))
    nh = 1
    bh = B // nh
    ch = bh * H * D

    outs = []
    for h in range(nh):
        qs = Q[h * bh:(h + 1) * bh]
        ks = K[h * bh:(h + 1) * bh]
        vs = V[h * bh:(h + 1) * bh]
        qt = jnp.transpose(qs, (2, 0, 1, 3)).reshape(L, ch)
        kt = jnp.transpose(ks, (2, 0, 1, 3)).reshape(L, ch)
        w16, d16 = _corr_topk(qt, kt, top_k)

        vt = jnp.transpose(vs, (0, 1, 3, 2)).reshape(ch, L)
        wt = jnp.transpose(w16, (1, 0))
        dt = jnp.transpose(d16, (1, 0))
        out_t = _sc_agg(vt, wt, dt, top_k)
        outs.append(
            jnp.transpose(out_t.reshape(bh, H, D, L), (0, 1, 3, 2)))
    return jnp.concatenate(outs, axis=0)

# --- scband reference (transcript-rebuilt; emitter-appended) ---
"""Pipeline reference for scband-auto-correlation-29996051595366 (READ-ONLY COPY).

The authoritative reference and input builder live on the scoring server;
editing this copy changes nothing except your own understanding.
"""

import math
import jax, jax.numpy as jnp
import numpy as np

B, H, L, D = 4, 16, 2048, 64
FACTOR = 1


def setup_inputs(seed: int = 0) -> dict:
    key = jax.random.key(seed)
    k1, k2, k3 = jax.random.split(key, 3)
    Q = jax.random.normal(k1, (B, H, L, D), dtype=jnp.float32)
    K = jax.random.normal(k2, (B, H, L, D), dtype=jnp.float32)
    V = jax.random.normal(k3, (B, H, L, D), dtype=jnp.float32)
    return {"Q": Q, "K": K, "V": V}


def _time_delay_agg(V, corr, factor):
    b, h, l, d = V.shape
    top_k = int(factor * math.log(l))
    # torch.topk over dim=2 -> move axis 2 to last for lax.top_k
    corr_t = jnp.moveaxis(corr, 2, -1)            # [B, H, D, L]
    w_t, d_t = jax.lax.top_k(corr_t, top_k)       # [B, H, D, k]
    weights = jnp.moveaxis(w_t, -1, 2)            # [B, H, k, D]
    delays = jnp.moveaxis(d_t, -1, 2)             # [B, H, k, D]
    weights = jax.nn.softmax(weights, axis=2)
    init_index = jnp.broadcast_to(jnp.arange(l)[None, None, :, None], (b, h, l, d))
    V2 = jnp.concatenate([V, V], axis=2)          # [B, H, 2L, D]
    delays_agg = jnp.zeros_like(V)
    for i in range(top_k):
        weight = weights[:, :, i, :][:, :, None, :]   # [B, H, 1, D]
        delay = delays[:, :, i, :][:, :, None, :]     # [B, H, 1, D]
        index = init_index + delay                    # [B, H, L, D]
        pattern = jnp.take_along_axis(V2, index, axis=2)
        delays_agg = delays_agg + pattern * weight
    return delays_agg


def reference(Q, K, V):
    Lq = Q.shape[2]
    S = K.shape[2]
    if Lq > S:
        pad = jnp.zeros(Q[:, :, : Lq - S, :].shape, dtype=jnp.float32)
        K = jnp.concatenate([K, pad], axis=2)
        V = jnp.concatenate([V, pad], axis=2)
    else:
        V = V[:, :, :Lq, :]
        K = K[:, :, :Lq, :]
    q_fft = jnp.fft.rfft(Q, axis=2)
    k_fft = jnp.fft.rfft(K, axis=2)
    res = q_fft * jnp.conj(k_fft)
    corr = jnp.fft.irfft(res, axis=2)  # default n = 2*(n_freq-1) = L (even L)
    return _time_delay_agg(V, corr, FACTOR)

if __name__ == "__main__":
    import jax
    _d = setup_inputs()
    print(jax.jit(kernel)(*tuple(_d.values())))

</pallas_src>

<mosaic_0001>
#map = affine_map<(d0, d1) -> (0, 0)>
module attributes {stable_mosaic.version = 14 : i64} {
  func.func @body(%arg0: i32, %arg1: i32, %arg2: memref<4096x2048xf32, #tpu.memory_space<hbm>>, %arg3: memref<4096x16xf32, #tpu.memory_space<hbm>>, %arg4: memref<4096x16xi32, #tpu.memory_space<hbm>>, %arg5: memref<4096x2048xf32, #tpu.memory_space<hbm>>, %arg6: memref<4096xf32, #tpu.memory_space<vmem>>, %arg7: memref<4096xf32, #tpu.memory_space<vmem>>, %arg8: memref<2048xf32, #tpu.memory_space<vmem>>, %arg9: memref<2048xf32, #tpu.memory_space<vmem>>, %arg10: memref<128x16xf32, #tpu.memory_space<vmem>>, %arg11: memref<128x16xi32, #tpu.memory_space<vmem>>, %arg12: memref<!tpu.dma_semaphore, #tpu.memory_space<semaphore_mem>>, %arg13: memref<!tpu.dma_semaphore, #tpu.memory_space<semaphore_mem>>, %arg14: memref<!tpu.dma_semaphore, #tpu.memory_space<semaphore_mem>>, %arg15: memref<!tpu.dma_semaphore, #tpu.memory_space<semaphore_mem>>) attributes {dimension_semantics = [#tpu.dimension_semantics<core_parallel>, #tpu.dimension_semantics<subcore_parallel>], iteration_bounds = array<i64: 2, 16>, scalar_prefetch = 0 : i64, scratch_operands = 10 : i64, tpu.core_type = #tpu.core_type<sc_vector_subcore>, window_params = [{transform_indices = #map}, {transform_indices = #map}, {transform_indices = #map}, {transform_indices = #map}]} {
    %mul3A = arith.constant 2 : i32
    %mul3A_0 = arith.muli %arg1, %mul3A : i32
    %add3A = arith.addi %mul3A_0, %arg0 : i32
    %mul3A_1 = arith.constant 128 : i32
    %mul3A_2 = arith.muli %add3A, %mul3A_1 : i32
    "tpu.region"() ({
      %run_scoped3A = tpu.sem_alloc : memref<!tpu.dma_semaphore, #tpu.memory_space<semaphore_mem>>
      %dma_start3A_73 = arith.constant 0 : i32
      %dma_start3A_74 = tpu.memref_slice %arg3[%mul3A_2, %dma_start3A_73] : memref<4096x16xf32, #tpu.memory_space<hbm>> -> memref<128x16xf32, #tpu.memory_space<hbm>>
      %dma_start3A_75 = arith.constant 0 : i32
      %dma_start3A_76 = tpu.memref_slice %arg3[%mul3A_2, %dma_start3A_75] : memref<4096x16xf32, #tpu.memory_space<hbm>> -> memref<128x16xf32, #tpu.memory_space<hbm>>
      tpu.enqueue_dma source(%dma_start3A_76 : memref<128x16xf32, #tpu.memory_space<hbm>>) target(%arg10 : memref<128x16xf32, #tpu.memory_space<vmem>>) target_semaphore(%run_scoped3A : memref<!tpu.dma_semaphore, #tpu.memory_space<semaphore_mem>>)
      %dma_wait3A_77 = arith.constant 0 : i32
      %dma_wait3A_78 = tpu.memref_slice %arg3[%mul3A_2, %dma_wait3A_77] : memref<4096x16xf32, #tpu.memory_space<hbm>> -> memref<128x16xf32, #tpu.memory_space<hbm>>
      %dma_wait3A_79 = arith.constant 0 : i32
      %dma_wait3A_80 = tpu.memref_slice %arg3[%mul3A_2, %dma_wait3A_79] : memref<4096x16xf32, #tpu.memory_space<hbm>> -> memref<128x16xf32, #tpu.memory_space<hbm>>
      tpu.wait_dma2 semaphore(%run_scoped3A : memref<!tpu.dma_semaphore, #tpu.memory_space<semaphore_mem>>) src(%dma_wait3A_80 : memref<128x16xf32, #tpu.memory_space<hbm>>) dst(%arg10 : memref<128x16xf32, #tpu.memory_space<vmem>>)
      tpu.yield
    }) : () -> ()
    "tpu.region"() ({
      %run_scoped3A = tpu.sem_alloc : memref<!tpu.dma_semaphore, #tpu.memory_space<semaphore_mem>>
      %dma_start3A_73 = arith.constant 0 : i32
      %dma_start3A_74 = tpu.memref_slice %arg4[%mul3A_2, %dma_start3A_73] : memref<4096x16xi32, #tpu.memory_space<hbm>> -> memref<128x16xi32, #tpu.memory_space<hbm>>
      %dma_start3A_75 = arith.constant 0 : i32
      %dma_start3A_76 = tpu.memref_slice %arg4[%mul3A_2, %dma_start3A_75] : memref<4096x16xi32, #tpu.memory_space<hbm>> -> memref<128x16xi32, #tpu.memory_space<hbm>>
      tpu.enqueue_dma source(%dma_start3A_76 : memref<128x16xi32, #tpu.memory_space<hbm>>) target(%arg11 : memref<128x16xi32, #tpu.memory_space<vmem>>) target_semaphore(%run_scoped3A : memref<!tpu.dma_semaphore, #tpu.memory_space<semaphore_mem>>)
      %dma_wait3A_77 = arith.constant 0 : i32
      %dma_wait3A_78 = tpu.memref_slice %arg4[%mul3A_2, %dma_wait3A_77] : memref<4096x16xi32, #tpu.memory_space<hbm>> -> memref<128x16xi32, #tpu.memory_space<hbm>>
      %dma_wait3A_79 = arith.constant 0 : i32
      %dma_wait3A_80 = tpu.memref_slice %arg4[%mul3A_2, %dma_wait3A_79] : memref<4096x16xi32, #tpu.memory_space<hbm>> -> memref<128x16xi32, #tpu.memory_space<hbm>>
      tpu.wait_dma2 semaphore(%run_scoped3A : memref<!tpu.dma_semaphore, #tpu.memory_space<semaphore_mem>>) src(%dma_wait3A_80 : memref<128x16xi32, #tpu.memory_space<hbm>>) dst(%arg11 : memref<128x16xi32, #tpu.memory_space<vmem>>)
      tpu.yield
    }) : () -> ()
    %add3A_3 = arith.constant 0 : i32
    %add3A_4 = arith.addi %mul3A_2, %add3A_3 : i32
    %dma_start3A = arith.constant 0 : i32
    %dma_start3A_5 = tpu.memref_slice %arg6[%dma_start3A] : memref<4096xf32, #tpu.memory_space<vmem>> -> memref<2048xf32, #tpu.memory_space<vmem>>
    %dma_start3A_6 = arith.constant 0 : i32
    %dma_start3A_7 = tpu.memref_slice %arg2[%add3A_4, %dma_start3A_6] : memref<4096x2048xf32, #tpu.memory_space<hbm>> -> memref<1x2048xf32, #tpu.memory_space<hbm>>
    %dma_start3A_8 = tpu.memref_squeeze %dma_start3A_7 : memref<1x2048xf32, #tpu.memory_space<hbm>> -> memref<2048xf32, #tpu.memory_space<hbm>>
    %dma_start3A_9 = arith.constant 0 : i32
    %dma_start3A_10 = tpu.memref_slice %arg6[%dma_start3A_9] : memref<4096xf32, #tpu.memory_space<vmem>> -> memref<2048xf32, #tpu.memory_space<vmem>>
    %dma_start3A_11 = arith.constant 0 : i32
    %dma_start3A_12 = tpu.memref_slice %arg2[%add3A_4, %dma_start3A_11] : memref<4096x2048xf32, #tpu.memory_space<hbm>> -> memref<1x2048xf32, #tpu.memory_space<hbm>>
    %dma_start3A_13 = tpu.memref_squeeze %dma_start3A_12 : memref<1x2048xf32, #tpu.memory_space<hbm>> -> memref<2048xf32, #tpu.memory_space<hbm>>
    tpu.enqueue_dma source(%dma_start3A_13 : memref<2048xf32, #tpu.memory_space<hbm>>) target(%dma_start3A_10 : memref<2048xf32, #tpu.memory_space<vmem>>) target_semaphore(%arg12 : memref<!tpu.dma_semaphore, #tpu.memory_space<semaphore_mem>>)
    %dma_start3A_14 = arith.constant 2048 : i32
    %dma_start3A_15 = tpu.memref_slice %arg6[%dma_start3A_14] : memref<4096xf32, #tpu.memory_space<vmem>> -> memref<2048xf32, #tpu.memory_space<vmem>>
    %dma_start3A_16 = arith.constant 0 : i32
    %dma_start3A_17 = tpu.memref_slice %arg2[%add3A_4, %dma_start3A_16] : memref<4096x2048xf32, #tpu.memory_space<hbm>> -> memref<1x2048xf32, #tpu.memory_space<hbm>>
    %dma_start3A_18 = tpu.memref_squeeze %dma_start3A_17 : memref<1x2048xf32, #tpu.memory_space<hbm>> -> memref<2048xf32, #tpu.memory_space<hbm>>
    %dma_start3A_19 = arith.constant 2048 : i32
    %dma_start3A_20 = tpu.memref_slice %arg6[%dma_start3A_19] : memref<4096xf32, #tpu.memory_space<vmem>> -> memref<2048xf32, #tpu.memory_space<vmem>>
    %dma_start3A_21 = arith.constant 0 : i32
    %dma_start3A_22 = tpu.memref_slice %arg2[%add3A_4, %dma_start3A_21] : memref<4096x2048xf32, #tpu.memory_space<hbm>> -> memref<1x2048xf32, #tpu.memory_space<hbm>>
    %dma_start3A_23 = tpu.memref_squeeze %dma_start3A_22 : memref<1x2048xf32, #tpu.memory_space<hbm>> -> memref<2048xf32, #tpu.memory_space<hbm>>
    tpu.enqueue_dma source(%dma_start3A_23 : memref<2048xf32, #tpu.memory_space<hbm>>) target(%dma_start3A_20 : memref<2048xf32, #tpu.memory_space<vmem>>) target_semaphore(%arg12 : memref<!tpu.dma_semaphore, #tpu.memory_space<semaphore_mem>>)
    %add3A_24 = arith.constant 1 : i32
    %add3A_25 = arith.addi %mul3A_2, %add3A_24 : i32
    %dma_start3A_26 = arith.constant 0 : i32
    %dma_start3A_27 = tpu.memref_slice %arg7[%dma_start3A_26] : memref<4096xf32, #tpu.memory_space<vmem>> -> memref<2048xf32, #tpu.memory_space<vmem>>
    %dma_start3A_28 = arith.constant 0 : i32
    %dma_start3A_29 = tpu.memref_slice %arg2[%add3A_25, %dma_start3A_28] : memref<4096x2048xf32, #tpu.memory_space<hbm>> -> memref<1x2048xf32, #tpu.memory_space<hbm>>
    %dma_start3A_30 = tpu.memref_squeeze %dma_start3A_29 : memref<1x2048xf32, #tpu.memory_space<hbm>> -> memref<2048xf32, #tpu.memory_space<hbm>>
    %dma_start3A_31 = arith.constant 0 : i32
    %dma_start3A_32 = tpu.memref_slice %arg7[%dma_start3A_31] : memref<4096xf32, #tpu.memory_space<vmem>> -> memref<2048xf32, #tpu.memory_space<vmem>>
    %dma_start3A_33 = arith.constant 0 : i32
    %dma_start3A_34 = tpu.memref_slice %arg2[%add3A_25, %dma_start3A_33] : memref<4096x2048xf32, #tpu.memory_space<hbm>> -> memref<1x2048xf32, #tpu.memory_space<hbm>>
    %dma_start3A_35 = tpu.memref_squeeze %dma_start3A_34 : memref<1x2048xf32, #tpu.memory_space<hbm>> -> memref<2048xf32, #tpu.memory_space<hbm>>
    tpu.enqueue_dma source(%dma_start3A_35 : memref<2048xf32, #tpu.memory_space<hbm>>) target(%dma_start3A_32 : memref<2048xf32, #tpu.memory_space<vmem>>) target_semaphore(%arg13 : memref<!tpu.dma_semaphore, #tpu.memory_space<semaphore_mem>>)
    %dma_start3A_36 = arith.constant 2048 : i32
    %dma_start3A_37 = tpu.memref_slice %arg7[%dma_start3A_36] : memref<4096xf32, #tpu.memory_space<vmem>> -> memref<2048xf32, #tpu.memory_space<vmem>>
    %dma_start3A_38 = arith.constant 0 : i32
    %dma_start3A_39 = tpu.memref_slice %arg2[%add3A_25, %dma_start3A_38] : memref<4096x2048xf32, #tpu.memory_space<hbm>> -> memref<1x2048xf32, #tpu.memory_space<hbm>>
    %dma_start3A_40 = tpu.memref_squeeze %dma_start3A_39 : memref<1x2048xf32, #tpu.memory_space<hbm>> -> memref<2048xf32, #tpu.memory_space<hbm>>
    %dma_start3A_41 = arith.constant 2048 : i32
    %dma_start3A_42 = tpu.memref_slice %arg7[%dma_start3A_41] : memref<4096xf32, #tpu.memory_space<vmem>> -> memref<2048xf32, #tpu.memory_space<vmem>>
    %dma_start3A_43 = arith.constant 0 : i32
    %dma_start3A_44 = tpu.memref_slice %arg2[%add3A_25, %dma_start3A_43] : memref<4096x2048xf32, #tpu.memory_space<hbm>> -> memref<1x2048xf32, #tpu.memory_space<hbm>>
    %dma_start3A_45 = tpu.memref_squeeze %dma_start3A_44 : memref<1x2048xf32, #tpu.memory_space<hbm>> -> memref<2048xf32, #tpu.memory_space<hbm>>
    tpu.enqueue_dma source(%dma_start3A_45 : memref<2048xf32, #tpu.memory_space<hbm>>) target(%dma_start3A_42 : memref<2048xf32, #tpu.memory_space<vmem>>) target_semaphore(%arg13 : memref<!tpu.dma_semaphore, #tpu.memory_space<semaphore_mem>>)
    %scan3A = arith.constant 0 : i32
    %scan3A_46 = arith.constant 0 : i32
    %scan3A_47 = arith.constant 64 : i32
    %scan3A_48 = arith.addi %scan3A_46, %scan3A_47 : i32
    %scan3A_49 = arith.constant 1 : i32
    scf.for %scan3A_73 = %scan3A_46 to %scan3A_48 step %scan3A_49  : i32 {
      %mul3A_74 = arith.constant 2 : i32
      %mul3A_75 = arith.muli %scan3A_73, %mul3A_74 : i32
      %add3A_76 = arith.constant 0 : i32
      %add3A_77 = arith.addi %mul3A_75, %add3A_76 : i32
      %add3A_78 = arith.addi %mul3A_2, %add3A_77 : i32
      %dma_wait3A_79 = arith.constant 0 : i32
      %dma_wait3A_80 = tpu.memref_slice %arg6[%dma_wait3A_79] : memref<4096xf32, #tpu.memory_space<vmem>> -> memref<2048xf32, #tpu.memory_space<vmem>>
      %dma_wait3A_81 = arith.constant 0 : i32
      %dma_wait3A_82 = tpu.memref_slice %arg2[%add3A_78, %dma_wait3A_81] : memref<4096x2048xf32, #tpu.memory_space<hbm>> -> memref<1x2048xf32, #tpu.memory_space<hbm>>
      %dma_wait3A_83 = tpu.memref_squeeze %dma_wait3A_82 : memref<1x2048xf32, #tpu.memory_space<hbm>> -> memref<2048xf32, #tpu.memory_space<hbm>>
      %dma_wait3A_84 = arith.constant 0 : i32
      %dma_wait3A_85 = tpu.memref_slice %arg6[%dma_wait3A_84] : memref<4096xf32, #tpu.memory_space<vmem>> -> memref<2048xf32, #tpu.memory_space<vmem>>
      %dma_wait3A_86 = arith.constant 0 : i32
      %dma_wait3A_87 = tpu.memref_slice %arg2[%add3A_78, %dma_wait3A_86] : memref<4096x2048xf32, #tpu.memory_space<hbm>> -> memref<1x2048xf32, #tpu.memory_space<hbm>>
      %dma_wait3A_88 = tpu.memref_squeeze %dma_wait3A_87 : memref<1x2048xf32, #tpu.memory_space<hbm>> -> memref<2048xf32, #tpu.memory_space<hbm>>
      tpu.wait_dma2 semaphore(%arg12 : memref<!tpu.dma_semaphore, #tpu.memory_space<semaphore_mem>>) src(%dma_wait3A_88 : memref<2048xf32, #tpu.memory_space<hbm>>) dst(%dma_wait3A_85 : memref<2048xf32, #tpu.memory_space<vmem>>)
      %dma_wait3A_89 = arith.constant 2048 : i32
      %dma_wait3A_90 = tpu.memref_slice %arg6[%dma_wait3A_89] : memref<4096xf32, #tpu.memory_space<vmem>> -> memref<2048xf32, #tpu.memory_space<vmem>>
      %dma_wait3A_91 = arith.constant 0 : i32
      %dma_wait3A_92 = tpu.memref_slice %arg2[%add3A_78, %dma_wait3A_91] : memref<4096x2048xf32, #tpu.memory_space<hbm>> -> memref<1x2048xf32, #tpu.memory_space<hbm>>
      %dma_wait3A_93 = tpu.memref_squeeze %dma_wait3A_92 : memref<1x2048xf32, #tpu.memory_space<hbm>> -> memref<2048xf32, #tpu.memory_space<hbm>>
      %dma_wait3A_94 = arith.constant 2048 : i32
      %dma_wait3A_95 = tpu.memref_slice %arg6[%dma_wait3A_94] : memref<4096xf32, #tpu.memory_space<vmem>> -> memref<2048xf32, #tpu.memory_space<vmem>>
      %dma_wait3A_96 = arith.constant 0 : i32
      %dma_wait3A_97 = tpu.memref_slice %arg2[%add3A_78, %dma_wait3A_96] : memref<4096x2048xf32, #tpu.memory_space<hbm>> -> memref<1x2048xf32, #tpu.memory_space<hbm>>
      %dma_wait3A_98 = tpu.memref_squeeze %dma_wait3A_97 : memref<1x2048xf32, #tpu.memory_space<hbm>> -> memref<2048xf32, #tpu.memory_space<hbm>>
      tpu.wait_dma2 semaphore(%arg12 : memref<!tpu.dma_semaphore, #tpu.memory_space<semaphore_mem>>) src(%dma_wait3A_98 : memref<2048xf32, #tpu.memory_space<hbm>>) dst(%dma_wait3A_95 : memref<2048xf32, #tpu.memory_space<vmem>>)
      %gt3A = arith.constant 0 : i32
      %gt3A_99 = arith.cmpi sgt, %scan3A_73, %gt3A : i32
      %convert_element_type3A = arith.extui %gt3A_99 : i1 to i32
      %cond3A = arith.constant 0 : i32
      %cond3A_100 = arith.cmpi ne, %convert_element_type3A, %cond3A : i32
      scf.if %cond3A_100 {
        %sub3A_237 = arith.constant 2 : i32
        %sub3A_238 = arith.subi %add3A_78, %sub3A_237 : i32
        %dma_wait3A_239 = arith.constant 0 : i32
        %dma_wait3A_240 = tpu.memref_slice %arg5[%sub3A_238, %dma_wait3A_239] : memref<4096x2048xf32, #tpu.memory_space<hbm>> -> memref<1x2048xf32, #tpu.memory_space<hbm>>
        %dma_wait3A_241 = tpu.memref_squeeze %dma_wait3A_240 : memref<1x2048xf32, #tpu.memory_space<hbm>> -> memref<2048xf32, #tpu.memory_space<hbm>>
        %dma_wait3A_242 = arith.constant 0 : i32
        %dma_wait3A_243 = tpu.memref_slice %arg5[%sub3A_238, %dma_wait3A_242] : memref<4096x2048xf32, #tpu.memory_space<hbm>> -> memref<1x2048xf32, #tpu.memory_space<hbm>>
        %dma_wait3A_244 = tpu.memref_squeeze %dma_wait3A_243 : memref<1x2048xf32, #tpu.memory_space<hbm>> -> memref<2048xf32, #tpu.memory_space<hbm>>
        tpu.wait_dma2 semaphore(%arg14 : memref<!tpu.dma_semaphore, #tpu.memory_space<semaphore_mem>>) src(%arg8 : memref<2048xf32, #tpu.memory_space<vmem>>) dst(%dma_wait3A_244 : memref<2048xf32, #tpu.memory_space<hbm>>)
      } else {
      }
      %get3A = arith.index_cast %add3A_77 : i32 to index
      %get3A_101 = arith.constant 0 : index
      %get3A_102 = tpu.vector_load %arg10[%get3A, %get3A_101] {strides = array<i32>} : memref<128x16xf32, #tpu.memory_space<vmem>>, vector<1x16xf32>,
      %get3A_103 = vector.shape_cast %get3A_102 : vector<1x16xf32> to vector<16xf32>
      %get3A_104 = arith.index_cast %add3A_77 : i32 to index
      %get3A_105 = arith.constant 0 : index
      %get3A_106 = tpu.vector_load %arg11[%get3A_104, %get3A_105] {strides = array<i32>} : memref<128x16xi32, #tpu.memory_space<vmem>>, vector<1x16xi32>,
      %get3A_107 = vector.shape_cast %get3A_106 : vector<1x16xi32> to vector<16xi32>
      %slice3A = vector.extract_strided_slice %get3A_103 {offsets = [0], sizes = [1], strides = [1]} : vector<16xf32> to vector<1xf32>
      %squeeze3A = vector.extract %slice3A[0] : f32 from vector<1xf32>
      %slice3A_108 = vector.extract_strided_slice %get3A_103 {offsets = [1], sizes = [1], strides = [1]} : vector<16xf32> to vector<1xf32>
      %squeeze3A_109 = vector.extract %slice3A_108[0] : f32 from vector<1xf32>
      %slice3A_110 = vector.extract_strided_slice %get3A_103 {offsets = [2], sizes = [1], strides = [1]} : vector<16xf32> to vector<1xf32>
      %squeeze3A_111 = vector.extract %slice3A_110[0] : f32 from vector<1xf32>
      %slice3A_112 = vector.extract_strided_slice %get3A_103 {offsets = [3], sizes = [1], strides = [1]} : vector<16xf32> to vector<1xf32>
      %squeeze3A_113 = vector.extract %slice3A_112[0] : f32 from vector<1xf32>
      %slice3A_114 = vector.extract_strided_slice %get3A_103 {offsets = [4], sizes = [1], strides = [1]} : vector<16xf32> to vector<1xf32>
      %squeeze3A_115 = vector.extract %slice3A_114[0] : f32 from vector<1xf32>
      %slice3A_116 = vector.extract_strided_slice %get3A_103 {offsets = [5], sizes = [1], strides = [1]} : vector<16xf32> to vector<1xf32>
      %squeeze3A_117 = vector.extract %slice3A_116[0] : f32 from vector<1xf32>
      %slice3A_118 = vector.extract_strided_slice %get3A_103 {offsets = [6], sizes = [1], strides = [1]} : vector<16xf32> to vector<1xf32>
      %squeeze3A_119 = vector.extract %slice3A_118[0] : f32 from vector<1xf32>
      %slice3A_120 = vector.extract_strided_slice %get3A_107 {offsets = [0], sizes = [1], strides = [1]} : vector<16xi32> to vector<1xi32>
      %squeeze3A_121 = vector.extract %slice3A_120[0] : i32 from vector<1xi32>
      %slice3A_122 = vector.extract_strided_slice %get3A_107 {offsets = [1], sizes = [1], strides = [1]} : vector<16xi32> to vector<1xi32>
      %squeeze3A_123 = vector.extract %slice3A_122[0] : i32 from vector<1xi32>
      %slice3A_124 = vector.extract_strided_slice %get3A_107 {offsets = [2], sizes = [1], strides = [1]} : vector<16xi32> to vector<1xi32>
      %squeeze3A_125 = vector.extract %slice3A_124[0] : i32 from vector<1xi32>
      %slice3A_126 = vector.extract_strided_slice %get3A_107 {offsets = [3], sizes = [1], strides = [1]} : vector<16xi32> to vector<1xi32>
      %squeeze3A_127 = vector.extract %slice3A_126[0] : i32 from vector<1xi32>
      %slice3A_128 = vector.extract_strided_slice %get3A_107 {offsets = [4], sizes = [1], strides = [1]} : vector<16xi32> to vector<1xi32>
      %squeeze3A_129 = vector.extract %slice3A_128[0] : i32 from vector<1xi32>
      %slice3A_130 = vector.extract_strided_slice %get3A_107 {offsets = [5], sizes = [1], strides = [1]} : vector<16xi32> to vector<1xi32>
      %squeeze3A_131 = vector.extract %slice3A_130[0] : i32 from vector<1xi32>
      %slice3A_132 = vector.extract_strided_slice %get3A_107 {offsets = [6], sizes = [1], strides = [1]} : vector<16xi32> to vector<1xi32>
      %squeeze3A_133 = vector.extract %slice3A_132[0] : i32 from vector<1xi32>
      %scan3A_134 = arith.constant 0 : i32
      %scan3A_135 = arith.constant 0 : i32
      %scan3A_136 = arith.constant 128 : i32
      %scan3A_137 = arith.addi %scan3A_135, %scan3A_136 : i32
      %scan3A_138 = arith.constant 2 : i32
      scf.for %scan3A_237 = %scan3A_135 to %scan3A_137 step %scan3A_138  : i32 {
        %mul3A_238 = arith.constant 16 : i32
        %mul3A_239 = arith.muli %scan3A_237, %mul3A_238 : i32
        %add3A_240 = arith.addi %mul3A_239, %squeeze3A_121 : i32
        %get3A_241 = arith.index_cast %add3A_240 : i32 to index
        %get3A_242 = tpu.vector_load %arg6[%get3A_241] {strides = array<i32>} : memref<4096xf32, #tpu.memory_space<vmem>>, vector<16xf32>,
        %get3A_243 = vector.shape_cast %get3A_242 : vector<16xf32> to vector<16xf32>
        %mul3A_244 = vector.broadcast %squeeze3A : f32 to vector<16xf32>
        %mul3A_245 = arith.mulf %mul3A_244, %get3A_243 : vector<16xf32>
        %add3A_246 = arith.addi %mul3A_239, %squeeze3A_123 : i32
        %get3A_247 = arith.index_cast %add3A_246 : i32 to index
        %get3A_248 = tpu.vector_load %arg6[%get3A_247] {strides = array<i32>} : memref<4096xf32, #tpu.memory_space<vmem>>, vector<16xf32>,
        %get3A_249 = vector.shape_cast %get3A_248 : vector<16xf32> to vector<16xf32>
        %mul3A_250 = vector.broadcast %squeeze3A_109 : f32 to vector<16xf32>
        %mul3A_251 = arith.mulf %mul3A_250, %get3A_249 : vector<16xf32>
        %add3A_252 = arith.addf %mul3A_245, %mul3A_251 : vector<16xf32>
        %add3A_253 = arith.addi %mul3A_239, %squeeze3A_125 : i32
        %get3A_254 = arith.index_cast %add3A_253 : i32 to index
        %get3A_255 = tpu.vector_load %arg6[%get3A_254] {strides = array<i32>} : memref<4096xf32, #tpu.memory_space<vmem>>, vector<16xf32>,
        %get3A_256 = vector.shape_cast %get3A_255 : vector<16xf32> to vector<16xf32>
        %mul3A_257 = vector.broadcast %squeeze3A_111 : f32 to vector<16xf32>
        %mul3A_258 = arith.mulf %mul3A_257, %get3A_256 : vector<16xf32>
        %add3A_259 = arith.addf %add3A_252, %mul3A_258 : vector<16xf32>
        %add3A_260 = arith.addi %mul3A_239, %squeeze3A_127 : i32
        %get3A_261 = arith.index_cast %add3A_260 : i32 to index
        %get3A_262 = tpu.vector_load %arg6[%get3A_261] {strides = array<i32>} : memref<4096xf32, #tpu.memory_space<vmem>>, vector<16xf32>,
        %get3A_263 = vector.shape_cast %get3A_262 : vector<16xf32> to vector<16xf32>
        %mul3A_264 = vector.broadcast %squeeze3A_113 : f32 to vector<16xf32>
        %mul3A_265 = arith.mulf %mul3A_264, %get3A_263 : vector<16xf32>
        %add3A_266 = arith.addf %add3A_259, %mul3A_265 : vector<16xf32>
        %add3A_267 = arith.addi %mul3A_239, %squeeze3A_129 : i32
        %get3A_268 = arith.index_cast %add3A_267 : i32 to index
        %get3A_269 = tpu.vector_load %arg6[%get3A_268] {strides = array<i32>} : memref<4096xf32, #tpu.memory_space<vmem>>, vector<16xf32>,
        %get3A_270 = vector.shape_cast %get3A_269 : vector<16xf32> to vector<16xf32>
        %mul3A_271 = vector.broadcast %squeeze3A_115 : f32 to vector<16xf32>
        %mul3A_272 = arith.mulf %mul3A_271, %get3A_270 : vector<16xf32>
        %add3A_273 = arith.addf %add3A_266, %mul3A_272 : vector<16xf32>
        %add3A_274 = arith.addi %mul3A_239, %squeeze3A_131 : i32
        %get3A_275 = arith.index_cast %add3A_274 : i32 to index
        %get3A_276 = tpu.vector_load %arg6[%get3A_275] {strides = array<i32>} : memref<4096xf32, #tpu.memory_space<vmem>>, vector<16xf32>,
        %get3A_277 = vector.shape_cast %get3A_276 : vector<16xf32> to vector<16xf32>
        %mul3A_278 = vector.broadcast %squeeze3A_117 : f32 to vector<16xf32>
        %mul3A_279 = arith.mulf %mul3A_278, %get3A_277 : vector<16xf32>
        %add3A_280 = arith.addf %add3A_273, %mul3A_279 : vector<16xf32>
        %add3A_281 = arith.addi %mul3A_239, %squeeze3A_133 : i32
        %get3A_282 = arith.index_cast %add3A_281 : i32 to index
        %get3A_283 = tpu.vector_load %arg6[%get3A_282] {strides = array<i32>} : memref<4096xf32, #tpu.memory_space<vmem>>, vector<16xf32>,
        %get3A_284 = vector.shape_cast %get3A_283 : vector<16xf32> to vector<16xf32>
        %mul3A_285 = vector.broadcast %squeeze3A_119 : f32 to vector<16xf32>
        %mul3A_286 = arith.mulf %mul3A_285, %get3A_284 : vector<16xf32>
        %add3A_287 = arith.addf %add3A_280, %mul3A_286 : vector<16xf32>
        %swap3A = arith.index_cast %mul3A_239 : i32 to index
        %swap3A_288 = tpu.vector_load %arg8[%swap3A] {strides = array<i32>} : memref<2048xf32, #tpu.memory_space<vmem>>, vector<16xf32>,
        %swap3A_289 = vector.shape_cast %swap3A_288 : vector<16xf32> to vector<16xf32>
        %swap3A_290 = vector.shape_cast %add3A_287 : vector<16xf32> to vector<16xf32>
        tpu.vector_store %arg8[%swap3A], %swap3A_290 {strides = array<i32>} : memref<2048xf32, #tpu.memory_space<vmem>>, vector<16xf32>,
        %scan3A_291 = arith.constant 1 : i32
        %scan3A_292 = arith.addi %scan3A_237, %scan3A_291 : i32
        %mul3A_293 = arith.constant 16 : i32
        %mul3A_294 = arith.muli %scan3A_292, %mul3A_293 : i32
        %add3A_295 = arith.addi %mul3A_294, %squeeze3A_121 : i32
        %get3A_296 = arith.index_cast %add3A_295 : i32 to index
        %get3A_297 = tpu.vector_load %arg6[%get3A_296] {strides = array<i32>} : memref<4096xf32, #tpu.memory_space<vmem>>, vector<16xf32>,
        %get3A_298 = vector.shape_cast %get3A_297 : vector<16xf32> to vector<16xf32>
        %mul3A_299 = vector.broadcast %squeeze3A : f32 to vector<16xf32>
        %mul3A_300 = arith.mulf %mul3A_299, %get3A_298 : vector<16xf32>
        %add3A_301 = arith.addi %mul3A_294, %squeeze3A_123 : i32
        %get3A_302 = arith.index_cast %add3A_301 : i32 to index
        %get3A_303 = tpu.vector_load %arg6[%get3A_302] {strides = array<i32>} : memref<4096xf32, #tpu.memory_space<vmem>>, vector<16xf32>,
        %get3A_304 = vector.shape_cast %get3A_303 : vector<16xf32> to vector<16xf32>
        %mul3A_305 = vector.broadcast %squeeze3A_109 : f32 to vector<16xf32>
        %mul3A_306 = arith.mulf %mul3A_305, %get3A_304 : vector<16xf32>
        %add3A_307 = arith.addf %mul3A_300, %mul3A_306 : vector<16xf32>
        %add3A_308 = arith.addi %mul3A_294, %squeeze3A_125 : i32
        %get3A_309 = arith.index_cast %add3A_308 : i32 to index
        %get3A_310 = tpu.vector_load %arg6[%get3A_309] {strides = array<i32>} : memref<4096xf32, #tpu.memory_space<vmem>>, vector<16xf32>,
        %get3A_311 = vector.shape_cast %get3A_310 : vector<16xf32> to vector<16xf32>
        %mul3A_312 = vector.broadcast %squeeze3A_111 : f32 to vector<16xf32>
        %mul3A_313 = arith.mulf %mul3A_312, %get3A_311 : vector<16xf32>
        %add3A_314 = arith.addf %add3A_307, %mul3A_313 : vector<16xf32>
        %add3A_315 = arith.addi %mul3A_294, %squeeze3A_127 : i32
        %get3A_316 = arith.index_cast %add3A_315 : i32 to index
        %get3A_317 = tpu.vector_load %arg6[%get3A_316] {strides = array<i32>} : memref<4096xf32, #tpu.memory_space<vmem>>, vector<16xf32>,
        %get3A_318 = vector.shape_cast %get3A_317 : vector<16xf32> to vector<16xf32>
        %mul3A_319 = vector.broadcast %squeeze3A_113 : f32 to vector<16xf32>
        %mul3A_320 = arith.mulf %mul3A_319, %get3A_318 : vector<16xf32>
        %add3A_321 = arith.addf %add3A_314, %mul3A_320 : vector<16xf32>
        %add3A_322 = arith.addi %mul3A_294, %squeeze3A_129 : i32
        %get3A_323 = arith.index_cast %add3A_322 : i32 to index
        %get3A_324 = tpu.vector_load %arg6[%get3A_323] {strides = array<i32>} : memref<4096xf32, #tpu.memory_space<vmem>>, vector<16xf32>,
        %get3A_325 = vector.shape_cast %get3A_324 : vector<16xf32> to vector<16xf32>
        %mul3A_326 = vector.broadcast %squeeze3A_115 : f32 to vector<16xf32>
        %mul3A_327 = arith.mulf %mul3A_326, %get3A_325 : vector<16xf32>
        %add3A_328 = arith.addf %add3A_321, %mul3A_327 : vector<16xf32>
        %add3A_329 = arith.addi %mul3A_294, %squeeze3A_131 : i32
        %get3A_330 = arith.index_cast %add3A_329 : i32 to index
        %get3A_331 = tpu.vector_load %arg6[%get3A_330] {strides = array<i32>} : memref<4096xf32, #tpu.memory_space<vmem>>, vector<16xf32>,
        %get3A_332 = vector.shape_cast %get3A_331 : vector<16xf32> to vector<16xf32>
        %mul3A_333 = vector.broadcast %squeeze3A_117 : f32 to vector<16xf32>
        %mul3A_334 = arith.mulf %mul3A_333, %get3A_332 : vector<16xf32>
        %add3A_335 = arith.addf %add3A_328, %mul3A_334 : vector<16xf32>
        %add3A_336 = arith.addi %mul3A_294, %squeeze3A_133 : i32
        %get3A_337 = arith.index_cast %add3A_336 : i32 to index
        %get3A_338 = tpu.vector_load %arg6[%get3A_337] {strides = array<i32>} : memref<4096xf32, #tpu.memory_space<vmem>>, vector<16xf32>,
        %get3A_339 = vector.shape_cast %get3A_338 : vector<16xf32> to vector<16xf32>
        %mul3A_340 = vector.broadcast %squeeze3A_119 : f32 to vector<16xf32>
        %mul3A_341 = arith.mulf %mul3A_340, %get3A_339 : vector<16xf32>
        %add3A_342 = arith.addf %add3A_335, %mul3A_341 : vector<16xf32>
        %swap3A_343 = arith.index_cast %mul3A_294 : i32 to index
        %swap3A_344 = tpu.vector_load %arg8[%swap3A_343] {strides = array<i32>} : memref<2048xf32, #tpu.memory_space<vmem>>, vector<16xf32>,
        %swap3A_345 = vector.shape_cast %swap3A_344 : vector<16xf32> to vector<16xf32>
        %swap3A_346 = vector.shape_cast %add3A_342 : vector<16xf32> to vector<16xf32>
        tpu.vector_store %arg8[%swap3A_343], %swap3A_346 {strides = array<i32>} : memref<2048xf32, #tpu.memory_space<vmem>>, vector<16xf32>,
      }
      %scan3A_139 = arith.constant 128 : i32
      %dma_start3A_140 = arith.constant 0 : i32
      %dma_start3A_141 = tpu.memref_slice %arg5[%add3A_78, %dma_start3A_140] : memref<4096x2048xf32, #tpu.memory_space<hbm>> -> memref<1x2048xf32, #tpu.memory_space<hbm>>
      %dma_start3A_142 = tpu.memref_squeeze %dma_start3A_141 : memref<1x2048xf32, #tpu.memory_space<hbm>> -> memref<2048xf32, #tpu.memory_space<hbm>>
      %dma_start3A_143 = arith.constant 0 : i32
      %dma_start3A_144 = tpu.memref_slice %arg5[%add3A_78, %dma_start3A_143] : memref<4096x2048xf32, #tpu.memory_space<hbm>> -> memref<1x2048xf32, #tpu.memory_space<hbm>>
      %dma_start3A_145 = tpu.memref_squeeze %dma_start3A_144 : memref<1x2048xf32, #tpu.memory_space<hbm>> -> memref<2048xf32, #tpu.memory_space<hbm>>
      tpu.enqueue_dma source(%arg8 : memref<2048xf32, #tpu.memory_space<vmem>>) target(%dma_start3A_145 : memref<2048xf32, #tpu.memory_space<hbm>>) target_semaphore(%arg14 : memref<!tpu.dma_semaphore, #tpu.memory_space<semaphore_mem>>)
      %add3A_146 = arith.constant 2 : i32
      %add3A_147 = arith.addi %add3A_77, %add3A_146 : i32
      %lt3A = arith.constant 128 : i32
      %lt3A_148 = arith.cmpi slt, %add3A_147, %lt3A : i32
      %convert_element_type3A_149 = arith.extui %lt3A_148 : i1 to i32
      %cond3A_150 = arith.constant 0 : i32
      %cond3A_151 = arith.cmpi ne, %convert_element_type3A_149, %cond3A_150 : i32
      scf.if %cond3A_151 {
        %add3A_237 = arith.constant 2 : i32
        %add3A_238 = arith.addi %add3A_78, %add3A_237 : i32
        %dma_start3A_239 = arith.constant 0 : i32
        %dma_start3A_240 = tpu.memref_slice %arg6[%dma_start3A_239] : memref<4096xf32, #tpu.memory_space<vmem>> -> memref<2048xf32, #tpu.memory_space<vmem>>
        %dma_start3A_241 = arith.constant 0 : i32
        %dma_start3A_242 = tpu.memref_slice %arg2[%add3A_238, %dma_start3A_241] : memref<4096x2048xf32, #tpu.memory_space<hbm>> -> memref<1x2048xf32, #tpu.memory_space<hbm>>
        %dma_start3A_243 = tpu.memref_squeeze %dma_start3A_242 : memref<1x2048xf32, #tpu.memory_space<hbm>> -> memref<2048xf32, #tpu.memory_space<hbm>>
        %dma_start3A_244 = arith.constant 0 : i32
        %dma_start3A_245 = tpu.memref_slice %arg6[%dma_start3A_244] : memref<4096xf32, #tpu.memory_space<vmem>> -> memref<2048xf32, #tpu.memory_space<vmem>>
        %dma_start3A_246 = arith.constant 0 : i32
        %dma_start3A_247 = tpu.memref_slice %arg2[%add3A_238, %dma_start3A_246] : memref<4096x2048xf32, #tpu.memory_space<hbm>> -> memref<1x2048xf32, #tpu.memory_space<hbm>>
        %dma_start3A_248 = tpu.memref_squeeze %dma_start3A_247 : memref<1x2048xf32, #tpu.memory_space<hbm>> -> memref<2048xf32, #tpu.memory_space<hbm>>
        tpu.enqueue_dma source(%dma_start3A_248 : memref<2048xf32, #tpu.memory_space<hbm>>) target(%dma_start3A_245 : memref<2048xf32, #tpu.memory_space<vmem>>) target_semaphore(%arg12 : memref<!tpu.dma_semaphore, #tpu.memory_space<semaphore_mem>>)
        %dma_start3A_249 = arith.constant 2048 : i32
        %dma_start3A_250 = tpu.memref_slice %arg6[%dma_start3A_249] : memref<4096xf32, #tpu.memory_space<vmem>> -> memref<2048xf32, #tpu.memory_space<vmem>>
        %dma_start3A_251 = arith.constant 0 : i32
        %dma_start3A_252 = tpu.memref_slice %arg2[%add3A_238, %dma_start3A_251] : memref<4096x2048xf32, #tpu.memory_space<hbm>> -> memref<1x2048xf32, #tpu.memory_space<hbm>>
        %dma_start3A_253 = tpu.memref_squeeze %dma_start3A_252 : memref<1x2048xf32, #tpu.memory_space<hbm>> -> memref<2048xf32, #tpu.memory_space<hbm>>
        %dma_start3A_254 = arith.constant 2048 : i32
        %dma_start3A_255 = tpu.memref_slice %arg6[%dma_start3A_254] : memref<4096xf32, #tpu.memory_space<vmem>> -> memref<2048xf32, #tpu.memory_space<vmem>>
        %dma_start3A_256 = arith.constant 0 : i32
        %dma_start3A_257 = tpu.memref_slice %arg2[%add3A_238, %dma_start3A_256] : memref<4096x2048xf32, #tpu.memory_space<hbm>> -> memref<1x2048xf32, #tpu.memory_space<hbm>>
        %dma_start3A_258 = tpu.memref_squeeze %dma_start3A_257 : memref<1x2048xf32, #tpu.memory_space<hbm>> -> memref<2048xf32, #tpu.memory_space<hbm>>
        tpu.enqueue_dma source(%dma_start3A_258 : memref<2048xf32, #tpu.memory_space<hbm>>) target(%dma_start3A_255 : memref<2048xf32, #tpu.memory_space<vmem>>) target_semaphore(%arg12 : memref<!tpu.dma_semaphore, #tpu.memory_space<semaphore_mem>>)
      } else {
      }
      %mul3A_152 = arith.constant 2 : i32
      %mul3A_153 = arith.muli %scan3A_73, %mul3A_152 : i32
      %add3A_154 = arith.constant 1 : i32
      %add3A_155 = arith.addi %mul3A_153, %add3A_154 : i32
      %add3A_156 = arith.addi %mul3A_2, %add3A_155 : i32
      %dma_wait3A_157 = arith.constant 0 : i32
      %dma_wait3A_158 = tpu.memref_slice %arg7[%dma_wait3A_157] : memref<4096xf32, #tpu.memory_space<vmem>> -> memref<2048xf32, #tpu.memory_space<vmem>>
      %dma_wait3A_159 = arith.constant 0 : i32
      %dma_wait3A_160 = tpu.memref_slice %arg2[%add3A_156, %dma_wait3A_159] : memref<4096x2048xf32, #tpu.memory_space<hbm>> -> memref<1x2048xf32, #tpu.memory_space<hbm>>
      %dma_wait3A_161 = tpu.memref_squeeze %dma_wait3A_160 : memref<1x2048xf32, #tpu.memory_space<hbm>> -> memref<2048xf32, #tpu.memory_space<hbm>>
      %dma_wait3A_162 = arith.constant 0 : i32
      %dma_wait3A_163 = tpu.memref_slice %arg7[%dma_wait3A_162] : memref<4096xf32, #tpu.memory_space<vmem>> -> memref<2048xf32, #tpu.memory_space<vmem>>
      %dma_wait3A_164 = arith.constant 0 : i32
      %dma_wait3A_165 = tpu.memref_slice %arg2[%add3A_156, %dma_wait3A_164] : memref<4096x2048xf32, #tpu.memory_space<hbm>> -> memref<1x2048xf32, #tpu.memory_space<hbm>>
      %dma_wait3A_166 = tpu.memref_squeeze %dma_wait3A_165 : memref<1x2048xf32, #tpu.memory_space<hbm>> -> memref<2048xf32, #tpu.memory_space<hbm>>
      tpu.wait_dma2 semaphore(%arg13 : memref<!tpu.dma_semaphore, #tpu.memory_space<semaphore_mem>>) src(%dma_wait3A_166 : memref<2048xf32, #tpu.memory_space<hbm>>) dst(%dma_wait3A_163 : memref<2048xf32, #tpu.memory_space<vmem>>)
      %dma_wait3A_167 = arith.constant 2048 : i32
      %dma_wait3A_168 = tpu.memref_slice %arg7[%dma_wait3A_167] : memref<4096xf32, #tpu.memory_space<vmem>> -> memref<2048xf32, #tpu.memory_space<vmem>>
      %dma_wait3A_169 = arith.constant 0 : i32
      %dma_wait3A_170 = tpu.memref_slice %arg2[%add3A_156, %dma_wait3A_169] : memref<4096x2048xf32, #tpu.memory_space<hbm>> -> memref<1x2048xf32, #tpu.memory_space<hbm>>
      %dma_wait3A_171 = tpu.memref_squeeze %dma_wait3A_170 : memref<1x2048xf32, #tpu.memory_space<hbm>> -> memref<2048xf32, #tpu.memory_space<hbm>>
      %dma_wait3A_172 = arith.constant 2048 : i32
      %dma_wait3A_173 = tpu.memref_slice %arg7[%dma_wait3A_172] : memref<4096xf32, #tpu.memory_space<vmem>> -> memref<2048xf32, #tpu.memory_space<vmem>>
      %dma_wait3A_174 = arith.constant 0 : i32
      %dma_wait3A_175 = tpu.memref_slice %arg2[%add3A_156, %dma_wait3A_174] : memref<4096x2048xf32, #tpu.memory_space<hbm>> -> memref<1x2048xf32, #tpu.memory_space<hbm>>
      %dma_wait3A_176 = tpu.memref_squeeze %dma_wait3A_175 : memref<1x2048xf32, #tpu.memory_space<hbm>> -> memref<2048xf32, #tpu.memory_space<hbm>>
      tpu.wait_dma2 semaphore(%arg13 : memref<!tpu.dma_semaphore, #tpu.memory_space<semaphore_mem>>) src(%dma_wait3A_176 : memref<2048xf32, #tpu.memory_space<hbm>>) dst(%dma_wait3A_173 : memref<2048xf32, #tpu.memory_space<vmem>>)
      %gt3A_177 = arith.constant 0 : i32
      %gt3A_178 = arith.cmpi sgt, %scan3A_73, %gt3A_177 : i32
      %convert_element_type3A_179 = arith.extui %gt3A_178 : i1 to i32
      %cond3A_180 = arith.constant 0 : i32
      %cond3A_181 = arith.cmpi ne, %convert_element_type3A_179, %cond3A_180 : i32
      scf.if %cond3A_181 {
        %sub3A_237 = arith.constant 2 : i32
        %sub3A_238 = arith.subi %add3A_156, %sub3A_237 : i32
        %dma_wait3A_239 = arith.constant 0 : i32
        %dma_wait3A_240 = tpu.memref_slice %arg5[%sub3A_238, %dma_wait3A_239] : memref<4096x2048xf32, #tpu.memory_space<hbm>> -> memref<1x2048xf32, #tpu.memory_space<hbm>>
        %dma_wait3A_241 = tpu.memref_squeeze %dma_wait3A_240 : memref<1x2048xf32, #tpu.memory_space<hbm>> -> memref<2048xf32, #tpu.memory_space<hbm>>
        %dma_wait3A_242 = arith.constant 0 : i32
        %dma_wait3A_243 = tpu.memref_slice %arg5[%sub3A_238, %dma_wait3A_242] : memref<4096x2048xf32, #tpu.memory_space<hbm>> -> memref<1x2048xf32, #tpu.memory_space<hbm>>
        %dma_wait3A_244 = tpu.memref_squeeze %dma_wait3A_243 : memref<1x2048xf32, #tpu.memory_space<hbm>> -> memref<2048xf32, #tpu.memory_space<hbm>>
        tpu.wait_dma2 semaphore(%arg15 : memref<!tpu.dma_semaphore, #tpu.memory_space<semaphore_mem>>) src(%arg9 : memref<2048xf32, #tpu.memory_space<vmem>>) dst(%dma_wait3A_244 : memref<2048xf32, #tpu.memory_space<hbm>>)
      } else {
      }
      %get3A_182 = arith.index_cast %add3A_155 : i32 to index
      %get3A_183 = arith.constant 0 : index
      %get3A_184 = tpu.vector_load %arg10[%get3A_182, %get3A_183] {strides = array<i32>} : memref<128x16xf32, #tpu.memory_space<vmem>>, vector<1x16xf32>,
      %get3A_185 = vector.shape_cast %get3A_184 : vector<1x16xf32> to vector<16xf32>
      %get3A_186 = arith.index_cast %add3A_155 : i32 to index
      %get3A_187 = arith.constant 0 : index
      %get3A_188 = tpu.vector_load %arg11[%get3A_186, %get3A_187] {strides = array<i32>} : memref<128x16xi32, #tpu.memory_space<vmem>>, vector<1x16xi32>,
      %get3A_189 = vector.shape_cast %get3A_188 : vector<1x16xi32> to vector<16xi32>
      %slice3A_190 = vector.extract_strided_slice %get3A_185 {offsets = [0], sizes = [1], strides = [1]} : vector<16xf32> to vector<1xf32>
      %squeeze3A_191 = vector.extract %slice3A_190[0] : f32 from vector<1xf32>
      %slice3A_192 = vector.extract_strided_slice %get3A_185 {offsets = [1], sizes = [1], strides = [1]} : vector<16xf32> to vector<1xf32>
      %squeeze3A_193 = vector.extract %slice3A_192[0] : f32 from vector<1xf32>
      %slice3A_194 = vector.extract_strided_slice %get3A_185 {offsets = [2], sizes = [1], strides = [1]} : vector<16xf32> to vector<1xf32>
      %squeeze3A_195 = vector.extract %slice3A_194[0] : f32 from vector<1xf32>
      %slice3A_196 = vector.extract_strided_slice %get3A_185 {offsets = [3], sizes = [1], strides = [1]} : vector<16xf32> to vector<1xf32>
      %squeeze3A_197 = vector.extract %slice3A_196[0] : f32 from vector<1xf32>
      %slice3A_198 = vector.extract_strided_slice %get3A_185 {offsets = [4], sizes = [1], strides = [1]} : vector<16xf32> to vector<1xf32>
      %squeeze3A_199 = vector.extract %slice3A_198[0] : f32 from vector<1xf32>
      %slice3A_200 = vector.extract_strided_slice %get3A_185 {offsets = [5], sizes = [1], strides = [1]} : vector<16xf32> to vector<1xf32>
      %squeeze3A_201 = vector.extract %slice3A_200[0] : f32 from vector<1xf32>
      %slice3A_202 = vector.extract_strided_slice %get3A_185 {offsets = [6], sizes = [1], strides = [1]} : vector<16xf32> to vector<1xf32>
      %squeeze3A_203 = vector.extract %slice3A_202[0] : f32 from vector<1xf32>
      %slice3A_204 = vector.extract_strided_slice %get3A_189 {offsets = [0], sizes = [1], strides = [1]} : vector<16xi32> to vector<1xi32>
      %squeeze3A_205 = vector.extract %slice3A_204[0] : i32 from vector<1xi32>
      %slice3A_206 = vector.extract_strided_slice %get3A_189 {offsets = [1], sizes = [1], strides = [1]} : vector<16xi32> to vector<1xi32>
      %squeeze3A_207 = vector.extract %slice3A_206[0] : i32 from vector<1xi32>
      %slice3A_208 = vector.extract_strided_slice %get3A_189 {offsets = [2], sizes = [1], strides = [1]} : vector<16xi32> to vector<1xi32>
      %squeeze3A_209 = vector.extract %slice3A_208[0] : i32 from vector<1xi32>
      %slice3A_210 = vector.extract_strided_slice %get3A_189 {offsets = [3], sizes = [1], strides = [1]} : vector<16xi32> to vector<1xi32>
      %squeeze3A_211 = vector.extract %slice3A_210[0] : i32 from vector<1xi32>
      %slice3A_212 = vector.extract_strided_slice %get3A_189 {offsets = [4], sizes = [1], strides = [1]} : vector<16xi32> to vector<1xi32>
      %squeeze3A_213 = vector.extract %slice3A_212[0] : i32 from vector<1xi32>
      %slice3A_214 = vector.extract_strided_slice %get3A_189 {offsets = [5], sizes = [1], strides = [1]} : vector<16xi32> to vector<1xi32>
      %squeeze3A_215 = vector.extract %slice3A_214[0] : i32 from vector<1xi32>
      %slice3A_216 = vector.extract_strided_slice %get3A_189 {offsets = [6], sizes = [1], strides = [1]} : vector<16xi32> to vector<1xi32>
      %squeeze3A_217 = vector.extract %slice3A_216[0] : i32 from vector<1xi32>
      %scan3A_218 = arith.constant 0 : i32
      %scan3A_219 = arith.constant 0 : i32
      %scan3A_220 = arith.constant 128 : i32
      %scan3A_221 = arith.addi %scan3A_219, %scan3A_220 : i32
      %scan3A_222 = arith.constant 2 : i32
      scf.for %scan3A_237 = %scan3A_219 to %scan3A_221 step %scan3A_222  : i32 {
        %mul3A_238 = arith.constant 16 : i32
        %mul3A_239 = arith.muli %scan3A_237, %mul3A_238 : i32
        %add3A_240 = arith.addi %mul3A_239, %squeeze3A_205 : i32
        %get3A_241 = arith.index_cast %add3A_240 : i32 to index
        %get3A_242 = tpu.vector_load %arg7[%get3A_241] {strides = array<i32>} : memref<4096xf32, #tpu.memory_space<vmem>>, vector<16xf32>,
        %get3A_243 = vector.shape_cast %get3A_242 : vector<16xf32> to vector<16xf32>
        %mul3A_244 = vector.broadcast %squeeze3A_191 : f32 to vector<16xf32>
        %mul3A_245 = arith.mulf %mul3A_244, %get3A_243 : vector<16xf32>
        %add3A_246 = arith.addi %mul3A_239, %squeeze3A_207 : i32
        %get3A_247 = arith.index_cast %add3A_246 : i32 to index
        %get3A_248 = tpu.vector_load %arg7[%get3A_247] {strides = array<i32>} : memref<4096xf32, #tpu.memory_space<vmem>>, vector<16xf32>,
        %get3A_249 = vector.shape_cast %get3A_248 : vector<16xf32> to vector<16xf32>
        %mul3A_250 = vector.broadcast %squeeze3A_193 : f32 to vector<16xf32>
        %mul3A_251 = arith.mulf %mul3A_250, %get3A_249 : vector<16xf32>
        %add3A_252 = arith.addf %mul3A_245, %mul3A_251 : vector<16xf32>
        %add3A_253 = arith.addi %mul3A_239, %squeeze3A_209 : i32
        %get3A_254 = arith.index_cast %add3A_253 : i32 to index
        %get3A_255 = tpu.vector_load %arg7[%get3A_254] {strides = array<i32>} : memref<4096xf32, #tpu.memory_space<vmem>>, vector<16xf32>,
        %get3A_256 = vector.shape_cast %get3A_255 : vector<16xf32> to vector<16xf32>
        %mul3A_257 = vector.broadcast %squeeze3A_195 : f32 to vector<16xf32>
        %mul3A_258 = arith.mulf %mul3A_257, %get3A_256 : vector<16xf32>
        %add3A_259 = arith.addf %add3A_252, %mul3A_258 : vector<16xf32>
        %add3A_260 = arith.addi %mul3A_239, %squeeze3A_211 : i32
        %get3A_261 = arith.index_cast %add3A_260 : i32 to index
        %get3A_262 = tpu.vector_load %arg7[%get3A_261] {strides = array<i32>} : memref<4096xf32, #tpu.memory_space<vmem>>, vector<16xf32>,
        %get3A_263 = vector.shape_cast %get3A_262 : vector<16xf32> to vector<16xf32>
        %mul3A_264 = vector.broadcast %squeeze3A_197 : f32 to vector<16xf32>
        %mul3A_265 = arith.mulf %mul3A_264, %get3A_263 : vector<16xf32>
        %add3A_266 = arith.addf %add3A_259, %mul3A_265 : vector<16xf32>
        %add3A_267 = arith.addi %mul3A_239, %squeeze3A_213 : i32
        %get3A_268 = arith.index_cast %add3A_267 : i32 to index
        %get3A_269 = tpu.vector_load %arg7[%get3A_268] {strides = array<i32>} : memref<4096xf32, #tpu.memory_space<vmem>>, vector<16xf32>,
        %get3A_270 = vector.shape_cast %get3A_269 : vector<16xf32> to vector<16xf32>
        %mul3A_271 = vector.broadcast %squeeze3A_199 : f32 to vector<16xf32>
        %mul3A_272 = arith.mulf %mul3A_271, %get3A_270 : vector<16xf32>
        %add3A_273 = arith.addf %add3A_266, %mul3A_272 : vector<16xf32>
        %add3A_274 = arith.addi %mul3A_239, %squeeze3A_215 : i32
        %get3A_275 = arith.index_cast %add3A_274 : i32 to index
        %get3A_276 = tpu.vector_load %arg7[%get3A_275] {strides = array<i32>} : memref<4096xf32, #tpu.memory_space<vmem>>, vector<16xf32>,
        %get3A_277 = vector.shape_cast %get3A_276 : vector<16xf32> to vector<16xf32>
        %mul3A_278 = vector.broadcast %squeeze3A_201 : f32 to vector<16xf32>
        %mul3A_279 = arith.mulf %mul3A_278, %get3A_277 : vector<16xf32>
        %add3A_280 = arith.addf %add3A_273, %mul3A_279 : vector<16xf32>
        %add3A_281 = arith.addi %mul3A_239, %squeeze3A_217 : i32
        %get3A_282 = arith.index_cast %add3A_281 : i32 to index
        %get3A_283 = tpu.vector_load %arg7[%get3A_282] {strides = array<i32>} : memref<4096xf32, #tpu.memory_space<vmem>>, vector<16xf32>,
        %get3A_284 = vector.shape_cast %get3A_283 : vector<16xf32> to vector<16xf32>
        %mul3A_285 = vector.broadcast %squeeze3A_203 : f32 to vector<16xf32>
        %mul3A_286 = arith.mulf %mul3A_285, %get3A_284 : vector<16xf32>
        %add3A_287 = arith.addf %add3A_280, %mul3A_286 : vector<16xf32>
        %swap3A = arith.index_cast %mul3A_239 : i32 to index
        %swap3A_288 = tpu.vector_load %arg9[%swap3A] {strides = array<i32>} : memref<2048xf32, #tpu.memory_space<vmem>>, vector<16xf32>,
        %swap3A_289 = vector.shape_cast %swap3A_288 : vector<16xf32> to vector<16xf32>
        %swap3A_290 = vector.shape_cast %add3A_287 : vector<16xf32> to vector<16xf32>
        tpu.vector_store %arg9[%swap3A], %swap3A_290 {strides = array<i32>} : memref<2048xf32, #tpu.memory_space<vmem>>, vector<16xf32>,
        %scan3A_291 = arith.constant 1 : i32
        %scan3A_292 = arith.addi %scan3A_237, %scan3A_291 : i32
        %mul3A_293 = arith.constant 16 : i32
        %mul3A_294 = arith.muli %scan3A_292, %mul3A_293 : i32
        %add3A_295 = arith.addi %mul3A_294, %squeeze3A_205 : i32
        %get3A_296 = arith.index_cast %add3A_295 : i32 to index
        %get3A_297 = tpu.vector_load %arg7[%get3A_296] {strides = array<i32>} : memref<4096xf32, #tpu.memory_space<vmem>>, vector<16xf32>,
        %get3A_298 = vector.shape_cast %get3A_297 : vector<16xf32> to vector<16xf32>
        %mul3A_299 = vector.broadcast %squeeze3A_191 : f32 to vector<16xf32>
        %mul3A_300 = arith.mulf %mul3A_299, %get3A_298 : vector<16xf32>
        %add3A_301 = arith.addi %mul3A_294, %squeeze3A_207 : i32
        %get3A_302 = arith.index_cast %add3A_301 : i32 to index
        %get3A_303 = tpu.vector_load %arg7[%get3A_302] {strides = array<i32>} : memref<4096xf32, #tpu.memory_space<vmem>>, vector<16xf32>,
        %get3A_304 = vector.shape_cast %get3A_303 : vector<16xf32> to vector<16xf32>
        %mul3A_305 = vector.broadcast %squeeze3A_193 : f32 to vector<16xf32>
        %mul3A_306 = arith.mulf %mul3A_305, %get3A_304 : vector<16xf32>
        %add3A_307 = arith.addf %mul3A_300, %mul3A_306 : vector<16xf32>
        %add3A_308 = arith.addi %mul3A_294, %squeeze3A_209 : i32
        %get3A_309 = arith.index_cast %add3A_308 : i32 to index
        %get3A_310 = tpu.vector_load %arg7[%get3A_309] {strides = array<i32>} : memref<4096xf32, #tpu.memory_space<vmem>>, vector<16xf32>,
        %get3A_311 = vector.shape_cast %get3A_310 : vector<16xf32> to vector<16xf32>
        %mul3A_312 = vector.broadcast %squeeze3A_195 : f32 to vector<16xf32>
        %mul3A_313 = arith.mulf %mul3A_312, %get3A_311 : vector<16xf32>
        %add3A_314 = arith.addf %add3A_307, %mul3A_313 : vector<16xf32>
        %add3A_315 = arith.addi %mul3A_294, %squeeze3A_211 : i32
        %get3A_316 = arith.index_cast %add3A_315 : i32 to index
        %get3A_317 = tpu.vector_load %arg7[%get3A_316] {strides = array<i32>} : memref<4096xf32, #tpu.memory_space<vmem>>, vector<16xf32>,
        %get3A_318 = vector.shape_cast %get3A_317 : vector<16xf32> to vector<16xf32>
        %mul3A_319 = vector.broadcast %squeeze3A_197 : f32 to vector<16xf32>
        %mul3A_320 = arith.mulf %mul3A_319, %get3A_318 : vector<16xf32>
        %add3A_321 = arith.addf %add3A_314, %mul3A_320 : vector<16xf32>
        %add3A_322 = arith.addi %mul3A_294, %squeeze3A_213 : i32
        %get3A_323 = arith.index_cast %add3A_322 : i32 to index
        %get3A_324 = tpu.vector_load %arg7[%get3A_323] {strides = array<i32>} : memref<4096xf32, #tpu.memory_space<vmem>>, vector<16xf32>,
        %get3A_325 = vector.shape_cast %get3A_324 : vector<16xf32> to vector<16xf32>
        %mul3A_326 = vector.broadcast %squeeze3A_199 : f32 to vector<16xf32>
        %mul3A_327 = arith.mulf %mul3A_326, %get3A_325 : vector<16xf32>
        %add3A_328 = arith.addf %add3A_321, %mul3A_327 : vector<16xf32>
        %add3A_329 = arith.addi %mul3A_294, %squeeze3A_215 : i32
        %get3A_330 = arith.index_cast %add3A_329 : i32 to index
        %get3A_331 = tpu.vector_load %arg7[%get3A_330] {strides = array<i32>} : memref<4096xf32, #tpu.memory_space<vmem>>, vector<16xf32>,
        %get3A_332 = vector.shape_cast %get3A_331 : vector<16xf32> to vector<16xf32>
        %mul3A_333 = vector.broadcast %squeeze3A_201 : f32 to vector<16xf32>
        %mul3A_334 = arith.mulf %mul3A_333, %get3A_332 : vector<16xf32>
        %add3A_335 = arith.addf %add3A_328, %mul3A_334 : vector<16xf32>
        %add3A_336 = arith.addi %mul3A_294, %squeeze3A_217 : i32
        %get3A_337 = arith.index_cast %add3A_336 : i32 to index
        %get3A_338 = tpu.vector_load %arg7[%get3A_337] {strides = array<i32>} : memref<4096xf32, #tpu.memory_space<vmem>>, vector<16xf32>,
        %get3A_339 = vector.shape_cast %get3A_338 : vector<16xf32> to vector<16xf32>
        %mul3A_340 = vector.broadcast %squeeze3A_203 : f32 to vector<16xf32>
        %mul3A_341 = arith.mulf %mul3A_340, %get3A_339 : vector<16xf32>
        %add3A_342 = arith.addf %add3A_335, %mul3A_341 : vector<16xf32>
        %swap3A_343 = arith.index_cast %mul3A_294 : i32 to index
        %swap3A_344 = tpu.vector_load %arg9[%swap3A_343] {strides = array<i32>} : memref<2048xf32, #tpu.memory_space<vmem>>, vector<16xf32>,
        %swap3A_345 = vector.shape_cast %swap3A_344 : vector<16xf32> to vector<16xf32>
        %swap3A_346 = vector.shape_cast %add3A_342 : vector<16xf32> to vector<16xf32>
        tpu.vector_store %arg9[%swap3A_343], %swap3A_346 {strides = array<i32>} : memref<2048xf32, #tpu.memory_space<vmem>>, vector<16xf32>,
      }
      %scan3A_223 = arith.constant 128 : i32
      %dma_start3A_224 = arith.constant 0 : i32
      %dma_start3A_225 = tpu.memref_slice %arg5[%add3A_156, %dma_start3A_224] : memref<4096x2048xf32, #tpu.memory_space<hbm>> -> memref<1x2048xf32, #tpu.memory_space<hbm>>
      %dma_start3A_226 = tpu.memref_squeeze %dma_start3A_225 : memref<1x2048xf32, #tpu.memory_space<hbm>> -> memref<2048xf32, #tpu.memory_space<hbm>>
      %dma_start3A_227 = arith.constant 0 : i32
      %dma_start3A_228 = tpu.memref_slice %arg5[%add3A_156, %dma_start3A_227] : memref<4096x2048xf32, #tpu.memory_space<hbm>> -> memref<1x2048xf32, #tpu.memory_space<hbm>>
      %dma_start3A_229 = tpu.memref_squeeze %dma_start3A_228 : memref<1x2048xf32, #tpu.memory_space<hbm>> -> memref<2048xf32, #tpu.memory_space<hbm>>
      tpu.enqueue_dma source(%arg9 : memref<2048xf32, #tpu.memory_space<vmem>>) target(%dma_start3A_229 : memref<2048xf32, #tpu.memory_space<hbm>>) target_semaphore(%arg15 : memref<!tpu.dma_semaphore, #tpu.memory_space<semaphore_mem>>)
      %add3A_230 = arith.constant 2 : i32
      %add3A_231 = arith.addi %add3A_155, %add3A_230 : i32
      %lt3A_232 = arith.constant 128 : i32
      %lt3A_233 = arith.cmpi slt, %add3A_231, %lt3A_232 : i32
      %convert_element_type3A_234 = arith.extui %lt3A_233 : i1 to i32
      %cond3A_235 = arith.constant 0 : i32
      %cond3A_236 = arith.cmpi ne, %convert_element_type3A_234, %cond3A_235 : i32
      scf.if %cond3A_236 {
        %add3A_237 = arith.constant 2 : i32
        %add3A_238 = arith.addi %add3A_156, %add3A_237 : i32
        %dma_start3A_239 = arith.constant 0 : i32
        %dma_start3A_240 = tpu.memref_slice %arg7[%dma_start3A_239] : memref<4096xf32, #tpu.memory_space<vmem>> -> memref<2048xf32, #tpu.memory_space<vmem>>
        %dma_start3A_241 = arith.constant 0 : i32
        %dma_start3A_242 = tpu.memref_slice %arg2[%add3A_238, %dma_start3A_241] : memref<4096x2048xf32, #tpu.memory_space<hbm>> -> memref<1x2048xf32, #tpu.memory_space<hbm>>
        %dma_start3A_243 = tpu.memref_squeeze %dma_start3A_242 : memref<1x2048xf32, #tpu.memory_space<hbm>> -> memref<2048xf32, #tpu.memory_space<hbm>>
        %dma_start3A_244 = arith.constant 0 : i32
        %dma_start3A_245 = tpu.memref_slice %arg7[%dma_start3A_244] : memref<4096xf32, #tpu.memory_space<vmem>> -> memref<2048xf32, #tpu.memory_space<vmem>>
        %dma_start3A_246 = arith.constant 0 : i32
        %dma_start3A_247 = tpu.memref_slice %arg2[%add3A_238, %dma_start3A_246] : memref<4096x2048xf32, #tpu.memory_space<hbm>> -> memref<1x2048xf32, #tpu.memory_space<hbm>>
        %dma_start3A_248 = tpu.memref_squeeze %dma_start3A_247 : memref<1x2048xf32, #tpu.memory_space<hbm>> -> memref<2048xf32, #tpu.memory_space<hbm>>
        tpu.enqueue_dma source(%dma_start3A_248 : memref<2048xf32, #tpu.memory_space<hbm>>) target(%dma_start3A_245 : memref<2048xf32, #tpu.memory_space<vmem>>) target_semaphore(%arg13 : memref<!tpu.dma_semaphore, #tpu.memory_space<semaphore_mem>>)
        %dma_start3A_249 = arith.constant 2048 : i32
        %dma_start3A_250 = tpu.memref_slice %arg7[%dma_start3A_249] : memref<4096xf32, #tpu.memory_space<vmem>> -> memref<2048xf32, #tpu.memory_space<vmem>>
        %dma_start3A_251 = arith.constant 0 : i32
        %dma_start3A_252 = tpu.memref_slice %arg2[%add3A_238, %dma_start3A_251] : memref<4096x2048xf32, #tpu.memory_space<hbm>> -> memref<1x2048xf32, #tpu.memory_space<hbm>>
        %dma_start3A_253 = tpu.memref_squeeze %dma_start3A_252 : memref<1x2048xf32, #tpu.memory_space<hbm>> -> memref<2048xf32, #tpu.memory_space<hbm>>
        %dma_start3A_254 = arith.constant 2048 : i32
        %dma_start3A_255 = tpu.memref_slice %arg7[%dma_start3A_254] : memref<4096xf32, #tpu.memory_space<vmem>> -> memref<2048xf32, #tpu.memory_space<vmem>>
        %dma_start3A_256 = arith.constant 0 : i32
        %dma_start3A_257 = tpu.memref_slice %arg2[%add3A_238, %dma_start3A_256] : memref<4096x2048xf32, #tpu.memory_space<hbm>> -> memref<1x2048xf32, #tpu.memory_space<hbm>>
        %dma_start3A_258 = tpu.memref_squeeze %dma_start3A_257 : memref<1x2048xf32, #tpu.memory_space<hbm>> -> memref<2048xf32, #tpu.memory_space<hbm>>
        tpu.enqueue_dma source(%dma_start3A_258 : memref<2048xf32, #tpu.memory_space<hbm>>) target(%dma_start3A_255 : memref<2048xf32, #tpu.memory_space<vmem>>) target_semaphore(%arg13 : memref<!tpu.dma_semaphore, #tpu.memory_space<semaphore_mem>>)
      } else {
      }
    }
    %scan3A_50 = arith.constant 64 : i32
    %add3A_51 = arith.constant 128 : i32
    %add3A_52 = arith.addi %mul3A_2, %add3A_51 : i32
    %sub3A = arith.constant 2 : i32
    %sub3A_53 = arith.subi %add3A_52, %sub3A : i32
    %add3A_54 = arith.constant 0 : i32
    %add3A_55 = arith.addi %sub3A_53, %add3A_54 : i32
    %dma_wait3A = arith.constant 0 : i32
    %dma_wait3A_56 = tpu.memref_slice %arg5[%add3A_55, %dma_wait3A] : memref<4096x2048xf32, #tpu.memory_space<hbm>> -> memref<1x2048xf32, #tpu.memory_space<hbm>>
    %dma_wait3A_57 = tpu.memref_squeeze %dma_wait3A_56 : memref<1x2048xf32, #tpu.memory_space<hbm>> -> memref<2048xf32, #tpu.memory_space<hbm>>
    %dma_wait3A_58 = arith.constant 0 : i32
    %dma_wait3A_59 = tpu.memref_slice %arg5[%add3A_55, %dma_wait3A_58] : memref<4096x2048xf32, #tpu.memory_space<hbm>> -> memref<1x2048xf32, #tpu.memory_space<hbm>>
    %dma_wait3A_60 = tpu.memref_squeeze %dma_wait3A_59 : memref<1x2048xf32, #tpu.memory_space<hbm>> -> memref<2048xf32, #tpu.memory_space<hbm>>
    tpu.wait_dma2 semaphore(%arg14 : memref<!tpu.dma_semaphore, #tpu.memory_space<semaphore_mem>>) src(%arg8 : memref<2048xf32, #tpu.memory_space<vmem>>) dst(%dma_wait3A_60 : memref<2048xf32, #tpu.memory_space<hbm>>)
    %add3A_61 = arith.constant 128 : i32
    %add3A_62 = arith.addi %mul3A_2, %add3A_61 : i32
    %sub3A_63 = arith.constant 2 : i32
    %sub3A_64 = arith.subi %add3A_62, %sub3A_63 : i32
    %add3A_65 = arith.constant 1 : i32
    %add3A_66 = arith.addi %sub3A_64, %add3A_65 : i32
    %dma_wait3A_67 = arith.constant 0 : i32
    %dma_wait3A_68 = tpu.memref_slice %arg5[%add3A_66, %dma_wait3A_67] : memref<4096x2048xf32, #tpu.memory_space<hbm>> -> memref<1x2048xf32, #tpu.memory_space<hbm>>
    %dma_wait3A_69 = tpu.memref_squeeze %dma_wait3A_68 : memref<1x2048xf32, #tpu.memory_space<hbm>> -> memref<2048xf32, #tpu.memory_space<hbm>>
    %dma_wait3A_70 = arith.constant 0 : i32
    %dma_wait3A_71 = tpu.memref_slice %arg5[%add3A_66, %dma_wait3A_70] : memref<4096x2048xf32, #tpu.memory_space<hbm>> -> memref<1x2048xf32, #tpu.memory_space<hbm>>
    %dma_wait3A_72 = tpu.memref_squeeze %dma_wait3A_71 : memref<1x2048xf32, #tpu.memory_space<hbm>> -> memref<2048xf32, #tpu.memory_space<hbm>>
    tpu.wait_dma2 semaphore(%arg15 : memref<!tpu.dma_semaphore, #tpu.memory_space<semaphore_mem>>) src(%arg9 : memref<2048xf32, #tpu.memory_space<vmem>>) dst(%dma_wait3A_72 : memref<2048xf32, #tpu.memory_space<hbm>>)
    return
  }
}

module attributes {stable_mosaic.version = 14 : i64} {
  func.func @_corr_topk_body(%arg0: i32, %arg1: memref<2048x256xf32, #tpu.memory_space<vmem>>, %arg2: memref<2048x256xf32, #tpu.memory_space<vmem>>, %arg3: memref<1152x2048xbf16, #tpu.memory_space<hbm>>, %arg4: memref<1152x2048xbf16, #tpu.memory_space<hbm>>, %arg5: memref<1152x2048xbf16, #tpu.memory_space<hbm>>, %arg6: memref<1152x2048xbf16, #tpu.memory_space<hbm>>, %arg7: memref<16x256xf32, #tpu.memory_space<vmem>>, %arg8: memref<16x256xi32, #tpu.memory_space<vmem>>, %arg9: memref<1152x2048xbf16, #tpu.memory_space<vmem>>, %arg10: memref<1152x2048xbf16, #tpu.memory_space<vmem>>, %arg11: memref<1152x2048xbf16, #tpu.memory_space<vmem>>, %arg12: memref<1152x2048xbf16, #tpu.memory_space<vmem>>, %arg13: memref<!tpu.dma_semaphore, #tpu.memory_space<semaphore_mem>>) attributes {dimension_semantics = [#tpu.dimension_semantics<arbitrary>], iteration_bounds = array<i64: 16>, scalar_prefetch = 0 : i64, scratch_operands = 5 : i64, tpu.core_type = #tpu.core_type<tc>, window_params = [{transform_indices = @transform_0, window_bounds = array<i64: 2048, 256>}, {transform_indices = @transform_1, window_bounds = array<i64: 2048, 256>}, {}, {}, {}, {}, {transform_indices = @transform_6, window_bounds = array<i64: 16, 256>}, {transform_indices = @transform_7, window_bounds = array<i64: 16, 256>}]} {
    %eq3A = arith.constant 0 : i32
    %eq3A_0 = arith.cmpi eq, %arg0, %eq3A : i32
    %convert_element_type3A = arith.extui %eq3A_0 : i1 to i32
    %cond3A = arith.constant 0 : i32
    %cond3A_1 = arith.cmpi ne, %convert_element_type3A, %cond3A : i32
    scf.if %cond3A_1 {
      tpu.enqueue_dma source(%arg3 : memref<1152x2048xbf16, #tpu.memory_space<hbm>>) target(%arg9 : memref<1152x2048xbf16, #tpu.memory_space<vmem>>) target_semaphore(%arg13 : memref<!tpu.dma_semaphore, #tpu.memory_space<semaphore_mem>>)
      tpu.enqueue_dma source(%arg4 : memref<1152x2048xbf16, #tpu.memory_space<hbm>>) target(%arg10 : memref<1152x2048xbf16, #tpu.memory_space<vmem>>) target_semaphore(%arg13 : memref<!tpu.dma_semaphore, #tpu.memory_space<semaphore_mem>>)
      tpu.enqueue_dma source(%arg5 : memref<1152x2048xbf16, #tpu.memory_space<hbm>>) target(%arg11 : memref<1152x2048xbf16, #tpu.memory_space<vmem>>) target_semaphore(%arg13 : memref<!tpu.dma_semaphore, #tpu.memory_space<semaphore_mem>>)
      tpu.enqueue_dma source(%arg6 : memref<1152x2048xbf16, #tpu.memory_space<hbm>>) target(%arg12 : memref<1152x2048xbf16, #tpu.memory_space<vmem>>) target_semaphore(%arg13 : memref<!tpu.dma_semaphore, #tpu.memory_space<semaphore_mem>>)
      tpu.wait_dma2 semaphore(%arg13 : memref<!tpu.dma_semaphore, #tpu.memory_space<semaphore_mem>>) src(%arg3 : memref<1152x2048xbf16, #tpu.memory_space<hbm>>) dst(%arg9 : memref<1152x2048xbf16, #tpu.memory_space<vmem>>)
      tpu.wait_dma2 semaphore(%arg13 : memref<!tpu.dma_semaphore, #tpu.memory_space<semaphore_mem>>) src(%arg4 : memref<1152x2048xbf16, #tpu.memory_space<hbm>>) dst(%arg10 : memref<1152x2048xbf16, #tpu.memory_space<vmem>>)
      tpu.wait_dma2 semaphore(%arg13 : memref<!tpu.dma_semaphore, #tpu.memory_space<semaphore_mem>>) src(%arg5 : memref<1152x2048xbf16, #tpu.memory_space<hbm>>) dst(%arg11 : memref<1152x2048xbf16, #tpu.memory_space<vmem>>)
      tpu.wait_dma2 semaphore(%arg13 : memref<!tpu.dma_semaphore, #tpu.memory_space<semaphore_mem>>) src(%arg6 : memref<1152x2048xbf16, #tpu.memory_space<hbm>>) dst(%arg12 : memref<1152x2048xbf16, #tpu.memory_space<vmem>>)
    } else {
    }
    %get3A = arith.constant 0 : index
    %get3A_2 = arith.constant 0 : index
    %get3A_3 = vector.load %arg9[%get3A, %get3A_2] : memref<1152x2048xbf16, #tpu.memory_space<vmem>>, vector<1152x2048xbf16>
    %get3A_4 = arith.constant 0 : index
    %get3A_5 = arith.constant 0 : index
    %get3A_6 = vector.load %arg10[%get3A_4, %get3A_5] : memref<1152x2048xbf16, #tpu.memory_space<vmem>>, vector<1152x2048xbf16>
    %get3A_7 = arith.constant 0 : index
    %get3A_8 = arith.constant 0 : index
    %get3A_9 = vector.load %arg11[%get3A_7, %get3A_8] : memref<1152x2048xbf16, #tpu.memory_space<vmem>>, vector<1152x2048xbf16>
    %get3A_10 = arith.constant 0 : index
    %get3A_11 = arith.constant 0 : index
    %get3A_12 = vector.load %arg12[%get3A_10, %get3A_11] : memref<1152x2048xbf16, #tpu.memory_space<vmem>>, vector<1152x2048xbf16>
    %get3A_13 = arith.constant 0 : index
    %get3A_14 = arith.constant 0 : index
    %get3A_15 = vector.load %arg1[%get3A_13, %get3A_14] : memref<2048x256xf32, #tpu.memory_space<vmem>>, vector<2048x256xf32>
    %convert_element_type3A_16 = arith.truncf %get3A_15 : vector<2048x256xf32> to vector<2048x256xbf16>
    %convert_element_type3A_17 = arith.extf %convert_element_type3A_16 : vector<2048x256xbf16> to vector<2048x256xf32>
    %sub3A = arith.subf %get3A_15, %convert_element_type3A_17 : vector<2048x256xf32>
    %convert_element_type3A_18 = arith.truncf %sub3A : vector<2048x256xf32> to vector<2048x256xbf16>
    %get3A_19 = arith.constant 0 : index
    %get3A_20 = arith.constant 0 : index
    %get3A_21 = vector.load %arg2[%get3A_19, %get3A_20] : memref<2048x256xf32, #tpu.memory_space<vmem>>, vector<2048x256xf32>
    %convert_element_type3A_22 = arith.truncf %get3A_21 : vector<2048x256xf32> to vector<2048x256xbf16>
    %convert_element_type3A_23 = arith.extf %convert_element_type3A_22 : vector<2048x256xbf16> to vector<2048x256xf32>
    %sub3A_24 = arith.subf %get3A_21, %convert_element_type3A_23 : vector<2048x256xf32>
    %convert_element_type3A_25 = arith.truncf %sub3A_24 : vector<2048x256xf32> to vector<2048x256xbf16>
    %dot_general3A = arith.constant dense<0.000000e+00> : vector<1152x256xf32>
    %dot_general3A_26 = tpu.matmul %get3A_3, %convert_element_type3A_16, %dot_general3A {dimension_numbers = #tpu.dot_dimension_numbers<[1], [0], [0], [1], [0, 0, 1, 1], [], []>, transpose_lhs_hint = false} : vector<1152x2048xbf16>, vector<2048x256xbf16>, vector<1152x256xf32> -> vector<1152x256xf32>
    %dot_general3A_27 = arith.constant dense<0.000000e+00> : vector<1152x256xf32>
    %dot_general3A_28 = tpu.matmul %get3A_3, %convert_element_type3A_18, %dot_general3A_27 {dimension_numbers = #tpu.dot_dimension_numbers<[1], [0], [0], [1], [0, 0, 1, 1], [], []>, transpose_lhs_hint = false} : vector<1152x2048xbf16>, vector<2048x256xbf16>, vector<1152x256xf32> -> vector<1152x256xf32>
    %add3A = arith.addf %dot_general3A_26, %dot_general3A_28 : vector<1152x256xf32>
    %dot_general3A_29 = arith.constant dense<0.000000e+00> : vector<1152x256xf32>
    %dot_general3A_30 = tpu.matmul %get3A_6, %convert_element_type3A_16, %dot_general3A_29 {dimension_numbers = #tpu.dot_dimension_numbers<[1], [0], [0], [1], [0, 0, 1, 1], [], []>, transpose_lhs_hint = false} : vector<1152x2048xbf16>, vector<2048x256xbf16>, vector<1152x256xf32> -> vector<1152x256xf32>
    %add3A_31 = arith.addf %add3A, %dot_general3A_30 : vector<1152x256xf32>
    %dot_general3A_32 = arith.constant dense<0.000000e+00> : vector<1152x256xf32>
    %dot_general3A_33 = tpu.matmul %get3A_9, %convert_element_type3A_16, %dot_general3A_32 {dimension_numbers = #tpu.dot_dimension_numbers<[1], [0], [0], [1], [0, 0, 1, 1], [], []>, transpose_lhs_hint = false} : vector<1152x2048xbf16>, vector<2048x256xbf16>, vector<1152x256xf32> -> vector<1152x256xf32>
    %dot_general3A_34 = arith.constant dense<0.000000e+00> : vector<1152x256xf32>
    %dot_general3A_35 = tpu.matmul %get3A_9, %convert_element_type3A_18, %dot_general3A_34 {dimension_numbers = #tpu.dot_dimension_numbers<[1], [0], [0], [1], [0, 0, 1, 1], [], []>, transpose_lhs_hint = false} : vector<1152x2048xbf16>, vector<2048x256xbf16>, vector<1152x256xf32> -> vector<1152x256xf32>
    %add3A_36 = arith.addf %dot_general3A_33, %dot_general3A_35 : vector<1152x256xf32>
    %dot_general3A_37 = arith.constant dense<0.000000e+00> : vector<1152x256xf32>
    %dot_general3A_38 = tpu.matmul %get3A_12, %convert_element_type3A_16, %dot_general3A_37 {dimension_numbers = #tpu.dot_dimension_numbers<[1], [0], [0], [1], [0, 0, 1, 1], [], []>, transpose_lhs_hint = false} : vector<1152x2048xbf16>, vector<2048x256xbf16>, vector<1152x256xf32> -> vector<1152x256xf32>
    %add3A_39 = arith.addf %add3A_36, %dot_general3A_38 : vector<1152x256xf32>
    %dot_general3A_40 = arith.constant dense<0.000000e+00> : vector<1152x256xf32>
    %dot_general3A_41 = tpu.matmul %get3A_3, %convert_element_type3A_22, %dot_general3A_40 {dimension_numbers = #tpu.dot_dimension_numbers<[1], [0], [0], [1], [0, 0, 1, 1], [], []>, transpose_lhs_hint = false} : vector<1152x2048xbf16>, vector<2048x256xbf16>, vector<1152x256xf32> -> vector<1152x256xf32>
    %dot_general3A_42 = arith.constant dense<0.000000e+00> : vector<1152x256xf32>
    %dot_general3A_43 = tpu.matmul %get3A_3, %convert_element_type3A_25, %dot_general3A_42 {dimension_numbers = #tpu.dot_dimension_numbers<[1], [0], [0], [1], [0, 0, 1, 1], [], []>, transpose_lhs_hint = false} : vector<1152x2048xbf16>, vector<2048x256xbf16>, vector<1152x256xf32> -> vector<1152x256xf32>
    %add3A_44 = arith.addf %dot_general3A_41, %dot_general3A_43 : vector<1152x256xf32>
    %dot_general3A_45 = arith.constant dense<0.000000e+00> : vector<1152x256xf32>
    %dot_general3A_46 = tpu.matmul %get3A_6, %convert_element_type3A_22, %dot_general3A_45 {dimension_numbers = #tpu.dot_dimension_numbers<[1], [0], [0], [1], [0, 0, 1, 1], [], []>, transpose_lhs_hint = false} : vector<1152x2048xbf16>, vector<2048x256xbf16>, vector<1152x256xf32> -> vector<1152x256xf32>
    %add3A_47 = arith.addf %add3A_44, %dot_general3A_46 : vector<1152x256xf32>
    %dot_general3A_48 = arith.constant dense<0.000000e+00> : vector<1152x256xf32>
    %dot_general3A_49 = tpu.matmul %get3A_9, %convert_element_type3A_22, %dot_general3A_48 {dimension_numbers = #tpu.dot_dimension_numbers<[1], [0], [0], [1], [0, 0, 1, 1], [], []>, transpose_lhs_hint = false} : vector<1152x2048xbf16>, vector<2048x256xbf16>, vector<1152x256xf32> -> vector<1152x256xf32>
    %dot_general3A_50 = arith.constant dense<0.000000e+00> : vector<1152x256xf32>
    %dot_general3A_51 = tpu.matmul %get3A_9, %convert_element_type3A_25, %dot_general3A_50 {dimension_numbers = #tpu.dot_dimension_numbers<[1], [0], [0], [1], [0, 0, 1, 1], [], []>, transpose_lhs_hint = false} : vector<1152x2048xbf16>, vector<2048x256xbf16>, vector<1152x256xf32> -> vector<1152x256xf32>
    %add3A_52 = arith.addf %dot_general3A_49, %dot_general3A_51 : vector<1152x256xf32>
    %dot_general3A_53 = arith.constant dense<0.000000e+00> : vector<1152x256xf32>
    %dot_general3A_54 = tpu.matmul %get3A_12, %convert_element_type3A_22, %dot_general3A_53 {dimension_numbers = #tpu.dot_dimension_numbers<[1], [0], [0], [1], [0, 0, 1, 1], [], []>, transpose_lhs_hint = false} : vector<1152x2048xbf16>, vector<2048x256xbf16>, vector<1152x256xf32> -> vector<1152x256xf32>
    %add3A_55 = arith.addf %add3A_52, %dot_general3A_54 : vector<1152x256xf32>
    %iota3A = tpu.iota {dimensions = array<i32: 0>} : vector<1152x256xi32>
    %eq3A_56 = arith.constant 0 : i32
    %eq3A_57 = vector.broadcast %eq3A_56 : i32 to vector<1152x256xi32>
    %eq3A_58 = arith.cmpi eq, %iota3A, %eq3A_57 : vector<1152x256xi32>
    %eq3A_59 = arith.constant 1024 : i32
    %eq3A_60 = vector.broadcast %eq3A_59 : i32 to vector<1152x256xi32>
    %eq3A_61 = arith.cmpi eq, %iota3A, %eq3A_60 : vector<1152x256xi32>
    %or3A = arith.ori %eq3A_58, %eq3A_61 : vector<1152x256xi1>
    %jit3A = arith.constant 1.000000e+00 : f32
    %jit3A_62 = arith.constant 2.000000e+00 : f32
    %broadcast_in_dim3A = vector.broadcast %jit3A : f32 to vector<1152x256xf32>
    %broadcast_in_dim3A_63 = vector.broadcast %jit3A_62 : f32 to vector<1152x256xf32>
    %select_n3A = arith.select %or3A, %broadcast_in_dim3A, %broadcast_in_dim3A_63 : vector<1152x256xi1>, vector<1152x256xf32>
    %le3A = arith.constant 1024 : i32
    %le3A_64 = vector.broadcast %le3A : i32 to vector<1152x256xi32>
    %le3A_65 = arith.cmpi sle, %iota3A, %le3A_64 : vector<1152x256xi32>
    %jit3A_66 = arith.constant 0.000000e+00 : f32
    %broadcast_in_dim3A_67 = vector.broadcast %jit3A_66 : f32 to vector<1152x256xf32>
    %select_n3A_68 = arith.select %le3A_65, %select_n3A, %broadcast_in_dim3A_67 : vector<1152x256xi1>, vector<1152x256xf32>
    %mul3A = arith.constant 4.8828125E-4 : f32
    %mul3A_69 = vector.broadcast %mul3A : f32 to vector<1152x256xf32>
    %mul3A_70 = arith.mulf %select_n3A_68, %mul3A_69 : vector<1152x256xf32>
    %mul3A_71 = arith.mulf %add3A_31, %add3A_47 : vector<1152x256xf32>
    %mul3A_72 = arith.mulf %add3A_39, %add3A_55 : vector<1152x256xf32>
    %add3A_73 = arith.addf %mul3A_71, %mul3A_72 : vector<1152x256xf32>
    %mul3A_74 = arith.mulf %add3A_73, %mul3A_70 : vector<1152x256xf32>
    %mul3A_75 = arith.mulf %add3A_39, %add3A_47 : vector<1152x256xf32>
    %mul3A_76 = arith.mulf %add3A_31, %add3A_55 : vector<1152x256xf32>
    %sub3A_77 = arith.subf %mul3A_75, %mul3A_76 : vector<1152x256xf32>
    %mul3A_78 = arith.mulf %sub3A_77, %mul3A_70 : vector<1152x256xf32>
    %convert_element_type3A_79 = arith.truncf %mul3A_74 : vector<1152x256xf32> to vector<1152x256xbf16>
    %convert_element_type3A_80 = arith.extf %convert_element_type3A_79 : vector<1152x256xbf16> to vector<1152x256xf32>
    %sub3A_81 = arith.subf %mul3A_74, %convert_element_type3A_80 : vector<1152x256xf32>
    %convert_element_type3A_82 = arith.truncf %sub3A_81 : vector<1152x256xf32> to vector<1152x256xbf16>
    %convert_element_type3A_83 = arith.truncf %mul3A_78 : vector<1152x256xf32> to vector<1152x256xbf16>
    %convert_element_type3A_84 = arith.extf %convert_element_type3A_83 : vector<1152x256xbf16> to vector<1152x256xf32>
    %sub3A_85 = arith.subf %mul3A_78, %convert_element_type3A_84 : vector<1152x256xf32>
    %convert_element_type3A_86 = arith.truncf %sub3A_85 : vector<1152x256xf32> to vector<1152x256xbf16>
    %dot_general3A_87 = arith.constant dense<0.000000e+00> : vector<2048x256xf32>
    %dot_general3A_88 = tpu.matmul %get3A_3, %convert_element_type3A_79, %dot_general3A_87 {dimension_numbers = #tpu.dot_dimension_numbers<[0], [0], [1], [1], [0, 1, 1, 1], [], []>, transpose_lhs_hint = false} : vector<1152x2048xbf16>, vector<1152x256xbf16>, vector<2048x256xf32> -> vector<2048x256xf32>
    %dot_general3A_89 = arith.constant dense<0.000000e+00> : vector<2048x256xf32>
    %dot_general3A_90 = tpu.matmul %get3A_3, %convert_element_type3A_82, %dot_general3A_89 {dimension_numbers = #tpu.dot_dimension_numbers<[0], [0], [1], [1], [0, 1, 1, 1], [], []>, transpose_lhs_hint = false} : vector<1152x2048xbf16>, vector<1152x256xbf16>, vector<2048x256xf32> -> vector<2048x256xf32>
    %add3A_91 = arith.addf %dot_general3A_88, %dot_general3A_90 : vector<2048x256xf32>
    %dot_general3A_92 = arith.constant dense<0.000000e+00> : vector<2048x256xf32>
    %dot_general3A_93 = tpu.matmul %get3A_6, %convert_element_type3A_79, %dot_general3A_92 {dimension_numbers = #tpu.dot_dimension_numbers<[0], [0], [1], [1], [0, 1, 1, 1], [], []>, transpose_lhs_hint = false} : vector<1152x2048xbf16>, vector<1152x256xbf16>, vector<2048x256xf32> -> vector<2048x256xf32>
    %add3A_94 = arith.addf %add3A_91, %dot_general3A_93 : vector<2048x256xf32>
    %dot_general3A_95 = arith.constant dense<0.000000e+00> : vector<2048x256xf32>
    %dot_general3A_96 = tpu.matmul %get3A_9, %convert_element_type3A_83, %dot_general3A_95 {dimension_numbers = #tpu.dot_dimension_numbers<[0], [0], [1], [1], [0, 1, 1, 1], [], []>, transpose_lhs_hint = false} : vector<1152x2048xbf16>, vector<1152x256xbf16>, vector<2048x256xf32> -> vector<2048x256xf32>
    %dot_general3A_97 = arith.constant dense<0.000000e+00> : vector<2048x256xf32>
    %dot_general3A_98 = tpu.matmul %get3A_9, %convert_element_type3A_86, %dot_general3A_97 {dimension_numbers = #tpu.dot_dimension_numbers<[0], [0], [1], [1], [0, 1, 1, 1], [], []>, transpose_lhs_hint = false} : vector<1152x2048xbf16>, vector<1152x256xbf16>, vector<2048x256xf32> -> vector<2048x256xf32>
    %add3A_99 = arith.addf %dot_general3A_96, %dot_general3A_98 : vector<2048x256xf32>
    %dot_general3A_100 = arith.constant dense<0.000000e+00> : vector<2048x256xf32>
    %dot_general3A_101 = tpu.matmul %get3A_12, %convert_element_type3A_83, %dot_general3A_100 {dimension_numbers = #tpu.dot_dimension_numbers<[0], [0], [1], [1], [0, 1, 1, 1], [], []>, transpose_lhs_hint = false} : vector<1152x2048xbf16>, vector<1152x256xbf16>, vector<2048x256xf32> -> vector<2048x256xf32>
    %add3A_102 = arith.addf %add3A_99, %dot_general3A_101 : vector<2048x256xf32>
    %add3A_103 = arith.addf %add3A_94, %add3A_102 : vector<2048x256xf32>
    %iota3A_104 = tpu.iota {dimensions = array<i32: 0>} : vector<2048x256xi32>
    %reduce_max3A = arith.constant dense<0xFF800000> : vector<256xf32>
    %reduce_max3A_105 = vector.multi_reduction <maximumf>, %add3A_103, %reduce_max3A [0] : vector<2048x256xf32> to vector<256xf32>
    %broadcast_in_dim3A_106 = vector.shape_cast %reduce_max3A_105 : vector<256xf32> to vector<1x256xf32>
    %ge3A = vector.broadcast %broadcast_in_dim3A_106 : vector<1x256xf32> to vector<2048x256xf32>
    %ge3A_107 = arith.cmpf oge, %add3A_103, %ge3A : vector<2048x256xf32>
    %jit3A_108 = arith.constant 2048 : i32
    %broadcast_in_dim3A_109 = vector.broadcast %jit3A_108 : i32 to vector<2048x256xi32>
    %select_n3A_110 = arith.select %ge3A_107, %iota3A_104, %broadcast_in_dim3A_109 : vector<2048x256xi1>, vector<2048x256xi32>
    %reduce_min3A = arith.constant dense<2147483647> : vector<256xi32>
    %reduce_min3A_111 = vector.multi_reduction <minsi>, %select_n3A_110, %reduce_min3A [0] : vector<2048x256xi32> to vector<256xi32>
    %broadcast_in_dim3A_112 = vector.shape_cast %reduce_min3A_111 : vector<256xi32> to vector<1x256xi32>
    %eq3A_113 = vector.broadcast %broadcast_in_dim3A_112 : vector<1x256xi32> to vector<2048x256xi32>
    %eq3A_114 = arith.cmpi eq, %iota3A_104, %eq3A_113 : vector<2048x256xi32>
    %jit3A_115 = arith.constant -3.000000e+38 : f32
    %broadcast_in_dim3A_116 = vector.broadcast %jit3A_115 : f32 to vector<2048x256xf32>
    %select_n3A_117 = arith.select %eq3A_114, %broadcast_in_dim3A_116, %add3A_103 : vector<2048x256xi1>, vector<2048x256xf32>
    %reduce_max3A_118 = arith.constant dense<0xFF800000> : vector<256xf32>
    %reduce_max3A_119 = vector.multi_reduction <maximumf>, %select_n3A_117, %reduce_max3A_118 [0] : vector<2048x256xf32> to vector<256xf32>
    %broadcast_in_dim3A_120 = vector.shape_cast %reduce_max3A_119 : vector<256xf32> to vector<1x256xf32>
    %ge3A_121 = vector.broadcast %broadcast_in_dim3A_120 : vector<1x256xf32> to vector<2048x256xf32>
    %ge3A_122 = arith.cmpf oge, %select_n3A_117, %ge3A_121 : vector<2048x256xf32>
    %jit3A_123 = arith.constant 2048 : i32
    %broadcast_in_dim3A_124 = vector.broadcast %jit3A_123 : i32 to vector<2048x256xi32>
    %select_n3A_125 = arith.select %ge3A_122, %iota3A_104, %broadcast_in_dim3A_124 : vector<2048x256xi1>, vector<2048x256xi32>
    %reduce_min3A_126 = arith.constant dense<2147483647> : vector<256xi32>
    %reduce_min3A_127 = vector.multi_reduction <minsi>, %select_n3A_125, %reduce_min3A_126 [0] : vector<2048x256xi32> to vector<256xi32>
    %broadcast_in_dim3A_128 = vector.shape_cast %reduce_min3A_127 : vector<256xi32> to vector<1x256xi32>
    %eq3A_129 = vector.broadcast %broadcast_in_dim3A_128 : vector<1x256xi32> to vector<2048x256xi32>
    %eq3A_130 = arith.cmpi eq, %iota3A_104, %eq3A_129 : vector<2048x256xi32>
    %jit3A_131 = arith.constant -3.000000e+38 : f32
    %broadcast_in_dim3A_132 = vector.broadcast %jit3A_131 : f32 to vector<2048x256xf32>
    %select_n3A_133 = arith.select %eq3A_130, %broadcast_in_dim3A_132, %select_n3A_117 : vector<2048x256xi1>, vector<2048x256xf32>
    %reduce_max3A_134 = arith.constant dense<0xFF800000> : vector<256xf32>
    %reduce_max3A_135 = vector.multi_reduction <maximumf>, %select_n3A_133, %reduce_max3A_134 [0] : vector<2048x256xf32> to vector<256xf32>
    %broadcast_in_dim3A_136 = vector.shape_cast %reduce_max3A_135 : vector<256xf32> to vector<1x256xf32>
    %ge3A_137 = vector.broadcast %broadcast_in_dim3A_136 : vector<1x256xf32> to vector<2048x256xf32>
    %ge3A_138 = arith.cmpf oge, %select_n3A_133, %ge3A_137 : vector<2048x256xf32>
    %jit3A_139 = arith.constant 2048 : i32
    %broadcast_in_dim3A_140 = vector.broadcast %jit3A_139 : i32 to vector<2048x256xi32>
    %select_n3A_141 = arith.select %ge3A_138, %iota3A_104, %broadcast_in_dim3A_140 : vector<2048x256xi1>, vector<2048x256xi32>
    %reduce_min3A_142 = arith.constant dense<2147483647> : vector<256xi32>
    %reduce_min3A_143 = vector.multi_reduction <minsi>, %select_n3A_141, %reduce_min3A_142 [0] : vector<2048x256xi32> to vector<256xi32>
    %broadcast_in_dim3A_144 = vector.shape_cast %reduce_min3A_143 : vector<256xi32> to vector<1x256xi32>
    %eq3A_145 = vector.broadcast %broadcast_in_dim3A_144 : vector<1x256xi32> to vector<2048x256xi32>
    %eq3A_146 = arith.cmpi eq, %iota3A_104, %eq3A_145 : vector<2048x256xi32>
    %jit3A_147 = arith.constant -3.000000e+38 : f32
    %broadcast_in_dim3A_148 = vector.broadcast %jit3A_147 : f32 to vector<2048x256xf32>
    %select_n3A_149 = arith.select %eq3A_146, %broadcast_in_dim3A_148, %select_n3A_133 : vector<2048x256xi1>, vector<2048x256xf32>
    %reduce_max3A_150 = arith.constant dense<0xFF800000> : vector<256xf32>
    %reduce_max3A_151 = vector.multi_reduction <maximumf>, %select_n3A_149, %reduce_max3A_150 [0] : vector<2048x256xf32> to vector<256xf32>
    %broadcast_in_dim3A_152 = vector.shape_cast %reduce_max3A_151 : vector<256xf32> to vector<1x256xf32>
    %ge3A_153 = vector.broadcast %broadcast_in_dim3A_152 : vector<1x256xf32> to vector<2048x256xf32>
    %ge3A_154 = arith.cmpf oge, %select_n3A_149, %ge3A_153 : vector<2048x256xf32>
    %jit3A_155 = arith.constant 2048 : i32
    %broadcast_in_dim3A_156 = vector.broadcast %jit3A_155 : i32 to vector<2048x256xi32>
    %select_n3A_157 = arith.select %ge3A_154, %iota3A_104, %broadcast_in_dim3A_156 : vector<2048x256xi1>, vector<2048x256xi32>
    %reduce_min3A_158 = arith.constant dense<2147483647> : vector<256xi32>
    %reduce_min3A_159 = vector.multi_reduction <minsi>, %select_n3A_157, %reduce_min3A_158 [0] : vector<2048x256xi32> to vector<256xi32>
    %broadcast_in_dim3A_160 = vector.shape_cast %reduce_min3A_159 : vector<256xi32> to vector<1x256xi32>
    %eq3A_161 = vector.broadcast %broadcast_in_dim3A_160 : vector<1x256xi32> to vector<2048x256xi32>
    %eq3A_162 = arith.cmpi eq, %iota3A_104, %eq3A_161 : vector<2048x256xi32>
    %jit3A_163 = arith.constant -3.000000e+38 : f32
    %broadcast_in_dim3A_164 = vector.broadcast %jit3A_163 : f32 to vector<2048x256xf32>
    %select_n3A_165 = arith.select %eq3A_162, %broadcast_in_dim3A_164, %select_n3A_149 : vector<2048x256xi1>, vector<2048x256xf32>
    %reduce_max3A_166 = arith.constant dense<0xFF800000> : vector<256xf32>
    %reduce_max3A_167 = vector.multi_reduction <maximumf>, %select_n3A_165, %reduce_max3A_166 [0] : vector<2048x256xf32> to vector<256xf32>
    %broadcast_in_dim3A_168 = vector.shape_cast %reduce_max3A_167 : vector<256xf32> to vector<1x256xf32>
    %ge3A_169 = vector.broadcast %broadcast_in_dim3A_168 : vector<1x256xf32> to vector<2048x256xf32>
    %ge3A_170 = arith.cmpf oge, %select_n3A_165, %ge3A_169 : vector<2048x256xf32>
    %jit3A_171 = arith.constant 2048 : i32
    %broadcast_in_dim3A_172 = vector.broadcast %jit3A_171 : i32 to vector<2048x256xi32>
    %select_n3A_173 = arith.select %ge3A_170, %iota3A_104, %broadcast_in_dim3A_172 : vector<2048x256xi1>, vector<2048x256xi32>
    %reduce_min3A_174 = arith.constant dense<2147483647> : vector<256xi32>
    %reduce_min3A_175 = vector.multi_reduction <minsi>, %select_n3A_173, %reduce_min3A_174 [0] : vector<2048x256xi32> to vector<256xi32>
    %broadcast_in_dim3A_176 = vector.shape_cast %reduce_min3A_175 : vector<256xi32> to vector<1x256xi32>
    %eq3A_177 = vector.broadcast %broadcast_in_dim3A_176 : vector<1x256xi32> to vector<2048x256xi32>
    %eq3A_178 = arith.cmpi eq, %iota3A_104, %eq3A_177 : vector<2048x256xi32>
    %jit3A_179 = arith.constant -3.000000e+38 : f32
    %broadcast_in_dim3A_180 = vector.broadcast %jit3A_179 : f32 to vector<2048x256xf32>
    %select_n3A_181 = arith.select %eq3A_178, %broadcast_in_dim3A_180, %select_n3A_165 : vector<2048x256xi1>, vector<2048x256xf32>
    %reduce_max3A_182 = arith.constant dense<0xFF800000> : vector<256xf32>
    %reduce_max3A_183 = vector.multi_reduction <maximumf>, %select_n3A_181, %reduce_max3A_182 [0] : vector<2048x256xf32> to vector<256xf32>
    %broadcast_in_dim3A_184 = vector.shape_cast %reduce_max3A_183 : vector<256xf32> to vector<1x256xf32>
    %ge3A_185 = vector.broadcast %broadcast_in_dim3A_184 : vector<1x256xf32> to vector<2048x256xf32>
    %ge3A_186 = arith.cmpf oge, %select_n3A_181, %ge3A_185 : vector<2048x256xf32>
    %jit3A_187 = arith.constant 2048 : i32
    %broadcast_in_dim3A_188 = vector.broadcast %jit3A_187 : i32 to vector<2048x256xi32>
    %select_n3A_189 = arith.select %ge3A_186, %iota3A_104, %broadcast_in_dim3A_188 : vector<2048x256xi1>, vector<2048x256xi32>
    %reduce_min3A_190 = arith.constant dense<2147483647> : vector<256xi32>
    %reduce_min3A_191 = vector.multi_reduction <minsi>, %select_n3A_189, %reduce_min3A_190 [0] : vector<2048x256xi32> to vector<256xi32>
    %broadcast_in_dim3A_192 = vector.shape_cast %reduce_min3A_191 : vector<256xi32> to vector<1x256xi32>
    %eq3A_193 = vector.broadcast %broadcast_in_dim3A_192 : vector<1x256xi32> to vector<2048x256xi32>
    %eq3A_194 = arith.cmpi eq, %iota3A_104, %eq3A_193 : vector<2048x256xi32>
    %jit3A_195 = arith.constant -3.000000e+38 : f32
    %broadcast_in_dim3A_196 = vector.broadcast %jit3A_195 : f32 to vector<2048x256xf32>
    %select_n3A_197 = arith.select %eq3A_194, %broadcast_in_dim3A_196, %select_n3A_181 : vector<2048x256xi1>, vector<2048x256xf32>
    %reduce_max3A_198 = arith.constant dense<0xFF800000> : vector<256xf32>
    %reduce_max3A_199 = vector.multi_reduction <maximumf>, %select_n3A_197, %reduce_max3A_198 [0] : vector<2048x256xf32> to vector<256xf32>
    %broadcast_in_dim3A_200 = vector.shape_cast %reduce_max3A_199 : vector<256xf32> to vector<1x256xf32>
    %ge3A_201 = vector.broadcast %broadcast_in_dim3A_200 : vector<1x256xf32> to vector<2048x256xf32>
    %ge3A_202 = arith.cmpf oge, %select_n3A_197, %ge3A_201 : vector<2048x256xf32>
    %jit3A_203 = arith.constant 2048 : i32
    %broadcast_in_dim3A_204 = vector.broadcast %jit3A_203 : i32 to vector<2048x256xi32>
    %select_n3A_205 = arith.select %ge3A_202, %iota3A_104, %broadcast_in_dim3A_204 : vector<2048x256xi1>, vector<2048x256xi32>
    %reduce_min3A_206 = arith.constant dense<2147483647> : vector<256xi32>
    %reduce_min3A_207 = vector.multi_reduction <minsi>, %select_n3A_205, %reduce_min3A_206 [0] : vector<2048x256xi32> to vector<256xi32>
    %broadcast_in_dim3A_208 = vector.shape_cast %reduce_min3A_207 : vector<256xi32> to vector<1x256xi32>
    %concatenate3A = tpu.concatenate %broadcast_in_dim3A_106, %broadcast_in_dim3A_120, %broadcast_in_dim3A_136, %broadcast_in_dim3A_152, %broadcast_in_dim3A_168, %broadcast_in_dim3A_184, %broadcast_in_dim3A_200 in 0 : vector<1x256xf32>, vector<1x256xf32>, vector<1x256xf32>, vector<1x256xf32>, vector<1x256xf32>, vector<1x256xf32>, vector<1x256xf32> -> vector<7x256xf32>
    %concatenate3A_209 = tpu.concatenate %broadcast_in_dim3A_112, %broadcast_in_dim3A_128, %broadcast_in_dim3A_144, %broadcast_in_dim3A_160, %broadcast_in_dim3A_176, %broadcast_in_dim3A_192, %broadcast_in_dim3A_208 in 0 : vector<1x256xi32>, vector<1x256xi32>, vector<1x256xi32>, vector<1x256xi32>, vector<1x256xi32>, vector<1x256xi32>, vector<1x256xi32> -> vector<7x256xi32>
    %reduce_max3A_210 = arith.constant dense<0xFF800000> : vector<256xf32>
    %reduce_max3A_211 = vector.multi_reduction <maximumf>, %concatenate3A, %reduce_max3A_210 [0] : vector<7x256xf32> to vector<256xf32>
    %broadcast_in_dim3A_212 = vector.shape_cast %reduce_max3A_211 : vector<256xf32> to vector<1x256xf32>
    %sub3A_213 = vector.broadcast %broadcast_in_dim3A_212 : vector<1x256xf32> to vector<7x256xf32>
    %sub3A_214 = arith.subf %concatenate3A, %sub3A_213 : vector<7x256xf32>
    %exp3A = math.exp %sub3A_214 : vector<7x256xf32>
    %reduce_sum3A = arith.constant dense<0.000000e+00> : vector<256xf32>
    %reduce_sum3A_215 = vector.multi_reduction <add>, %exp3A, %reduce_sum3A [0] : vector<7x256xf32> to vector<256xf32>
    %broadcast_in_dim3A_216 = vector.shape_cast %reduce_sum3A_215 : vector<256xf32> to vector<1x256xf32>
    %div3A = vector.broadcast %broadcast_in_dim3A_216 : vector<1x256xf32> to vector<7x256xf32>
    %div3A_217 = arith.divf %exp3A, %div3A : vector<7x256xf32>
    %broadcast_in_dim3A_218 = arith.constant 0.000000e+00 : f32
    %broadcast_in_dim3A_219 = vector.broadcast %broadcast_in_dim3A_218 : f32 to vector<9x256xf32>
    %concatenate3A_220 = tpu.concatenate %div3A_217, %broadcast_in_dim3A_219 in 0 : vector<7x256xf32>, vector<9x256xf32> -> vector<16x256xf32>
    %swap3A = arith.constant 0 : index
    %swap3A_221 = arith.constant 0 : index
    %swap3A_222 = vector.load %arg7[%swap3A, %swap3A_221] : memref<16x256xf32, #tpu.memory_space<vmem>>, vector<16x256xf32>
    tpu.vector_store %arg7[%swap3A, %swap3A_221], %concatenate3A_220 {strides = array<i32>} : memref<16x256xf32, #tpu.memory_space<vmem>>, vector<16x256xf32>,
    %broadcast_in_dim3A_223 = arith.constant 0 : i32
    %broadcast_in_dim3A_224 = vector.broadcast %broadcast_in_dim3A_223 : i32 to vector<9x256xi32>
    %concatenate3A_225 = tpu.concatenate %concatenate3A_209, %broadcast_in_dim3A_224 in 0 : vector<7x256xi32>, vector<9x256xi32> -> vector<16x256xi32>
    %swap3A_226 = arith.constant 0 : index
    %swap3A_227 = arith.constant 0 : index
    %swap3A_228 = vector.load %arg8[%swap3A_226, %swap3A_227] : memref<16x256xi32, #tpu.memory_space<vmem>>, vector<16x256xi32>
    tpu.vector_store %arg8[%swap3A_226, %swap3A_227], %concatenate3A_225 {strides = array<i32>} : memref<16x256xi32, #tpu.memory_space<vmem>>, vector<16x256xi32>,
    return
  }
  func.func @transform_0(%arg0: i32) -> (i32, i32) {
    %c0_i32 = arith.constant 0 : i32
    %c0_i32_0 = arith.constant 0 : i32
    return %c0_i32, %arg0 : i32, i32
  }
  func.func @transform_1(%arg0: i32) -> (i32, i32) {
    %c0_i32 = arith.constant 0 : i32
    %c0_i32_0 = arith.constant 0 : i32
    return %c0_i32, %arg0 : i32, i32
  }
  func.func @transform_6(%arg0: i32) -> (i32, i32) {
    %c0_i32 = arith.constant 0 : i32
    %c0_i32_0 = arith.constant 0 : i32
    return %c0_i32, %arg0 : i32, i32
  }
  func.func @transform_7(%arg0: i32) -> (i32, i32) {
    %c0_i32 = arith.constant 0 : i32
    %c0_i32_0 = arith.constant 0 : i32
    return %c0_i32, %arg0 : i32, i32
  }
}

</mosaic_0001>

<sc_bundles>
// kernel: kernel.4.cloned.1.call-start
scs
__scs_entry_jumppad:
0x0: {  	(pc) =	sbr.rel $0x88, $3  }
0x1: {  	(tag) =	ssettag $0x0;
	lr =	simm.s32 $0x1  }
0x2: {  	[smem:$0x3F9E] =	sst lr;
	_ =	strace $0xD0000000  }
0x3: {  	_ = 	snop  }
0x4: {  	_ = 	snop  }
0x5: {  	_ = 	snop  }
0x6: {  	_ = 	snop  }
0x7: {  	_ = 	snop  }
__scs_overlays_trampoline_lowered:
0x8: {  	[smem:$0x3FAD] =	sst s0  }
0x9: {  	[smem:$0x3FAE] =	sst s1  }
0xa: {  	[smem:$0x3FAF] =	sst s2  }
0xb: {  	[smem:$0x3FB0] =	sst s3  }
0xc: {  	[smem:$0x3FB1] =	sst s4  }
0xd: {  	[smem:$0x3FB2] =	sst s5  }
0xe: {  	[smem:$0x3FB3] =	sst s6  }
0xf: {  	[smem:$0x3FB4] =	sst s7  }
0x10: {  	[smem:$0x3FB5] =	sst s8  }
0x11: {  	[smem:$0x3FB6] =	sst s9;
	s0 =	simm.s32 @!p0 $0x0  }
0x12: {  	s1 =	sld [smem:$0x3F9C];
	s0 =	simm.s32 @p0 $0x1  }
0x13: {  	[smem:$0x3FB7] =	sst s0;
	s0 =	simm.s32 @!p1 $0x0  }
0x14: {  	s2 =	sld [smem:$0x3F9B];
	s0 =	simm.s32 @p1 $0x1  }
0x15: {  	[smem:$0x3FB8] =	sst s0;
	s0 =	simm.s32 @!p2 $0x0  }
0x16: {  	s3 =	sld [smem:$0x3FDB];
	s0 =	simm.s32 @p2 $0x1  }
0x17: {  	s4 =	simm.s32 $0x1BF5;
	[smem:$0x3FBA] =	sst s0  }
0x18: {  	s0 =	sld [smem:$0x3F9D];
	_ =	swait.ge [sflag:s4], $0x0  }
0x19: {  	s7 =	sld [smem:$0x3F9E]  }
0x1a: {  	s8 =	sadd.s32 $0xFFFFE003, lr  }
0x1b: {  	s9 =	sadd.s32 $0xFFFFFEF7, lr;
	s5 =	simm.s32 $0xFFFFFFFF;
	p2 =	slt.u32 s8, $0xFFFFF086  }
0x1c: {  	p1 =	slt.u32 s9, $0xF7A;
	s5 =	simm.s32 @!p2 $0x0  }
0x1d: {  	s5 =	simm.s32 @p1 $0x1;
	p0 =	seq.s32 s7, s2  }
0x1e: {  	s7 =	smul.u32 @!p0 $0xF7A, s2;
	p2 =	seq.s32 @!p0 s5, $0x0  }
0x1f: {  	s9 =	smul.u32 $0xF7A, s1;
	s8 =	simm.s32 @!p0 $0x1BF5;
	p2 =	por !p2, p0  }
0x20: {  	[sflag:s8] =	ssyncset.s32 @!p0 $0xFFFFF086;
	s6 =	sadd.s32 @!p0 s3, s7;
	s7 =	simm.s32 @!p0 $0x108  }
0x21: {  	s3 =	sadd.s32 s3, s9;
	s6 =	sadd.s32 @!p0 $0x88, s6;
	s7 =	simm.s32 @p2 $0x1082  }
0x22: {  	[simem:s7], [sflag:s8] =	dma.local @!p0 [hbm:s6], $0xF7A  }
0x23: {  	s9 =	sor.u32 $0xD0000000, s2;
	s6 =	simm.s32 $0x108;
	_ =	swait.ge @!p0 [sflag:s8], $0x0  }
0x24: {  	s3 =	sadd.s32 $0x88, s3;
	s6 =	simm.s32 @!p1 $0x1082;
	[sflag:s4] =	ssyncset.s32 $0xFFFFF086  }
0x25: {  	[simem:s6], [sflag:s4] =	dma.local [hbm:s3], $0xF7A  }
0x26: {  	[smem:$0x3F9E] =	sst s1;
	(tag) =	ssettag s2;
	_ =	strace s9  }
0x27: {  	s1 =	sld [smem:$0x3FAE]  }
0x28: {  	s2 =	sld [smem:$0x3FAF]  }
0x29: {  	s4 =	sld [smem:$0x3FB1]  }
0x2a: {  	p0 =	seq.s32 s5, $0x0;
	s5 =	sld [smem:$0x3FB2]  }
0x2b: {  	s6 =	sld [smem:$0x3FB3]  }
0x2c: {  	s7 =	sld [smem:$0x3FB4]  }
0x2d: {  	s3 =	simm.s32 $0x108;
	s8 =	sld [smem:$0x3FB5]  }
0x2e: {  	s3 =	simm.s32 @!p0 $0x1082;
	s9 =	sld [smem:$0x3FB6]  }
0x2f: {  	lr =	sadd.s32 s0, s3;
	s0 =	sld [smem:$0x3FAD]  }
0x30: {  	s3 =	sld [smem:$0x3FB0]  }
0x31: {  	[smem:$0x3FB9] =	sst s10  }
0x32: {  	s10 =	sld [smem:$0x3FB7];
	_ =	sdelay $0x3  }
0x33: {  	p0 =	seq.s32 s10, $0x1;
	s10 =	sld [smem:$0x3FB9];
	_ =	sdelay $0x3  }
0x34: {  	[smem:$0x3FB9] =	sst s10  }
0x35: {  	s10 =	sld [smem:$0x3FB8];
	_ =	sdelay $0x3  }
0x36: {  	p1 =	seq.s32 s10, $0x1;
	s10 =	sld [smem:$0x3FB9];
	_ =	sdelay $0x3  }
0x37: {  	[smem:$0x3FB9] =	sst s10  }
0x38: {  	s10 =	sld [smem:$0x3FBA]  }
0x39: {  	_ = 	snop;
	(pc) =	sbr.ind lr, $3  }
0x3a: {  	_ = 	snop  }
0x3b: {  	_ = 	snop  }
0x3c: {  	p2 =	seq.s32 s10, $0x1;
	s10 =	sld [smem:$0x3FB9]  }
0x3d: {  	_ =	shalt  }
0x3e: {  	_ =	shalt  }
0x3f: {  	_ =	shalt  }
0x40: {  	_ =	shalt  }
0x41: {  	_ =	shalt  }
0x42: {  	_ =	shalt  }
0x43: {  	_ =	shalt  }
0x44: {  	_ =	shalt  }
0x45: {  	_ =	shalt  }
0x46: {  	_ =	shalt  }
0x47: {  	_ =	shalt  }
0x48: {  	_ =	shalt  }
0x49: {  	_ =	shalt  }
0x4a: {  	_ =	shalt  }
0x4b: {  	_ =	shalt  }
0x4c: {  	_ =	shalt  }
0x4d: {  	_ =	shalt  }
0x4e: {  	_ =	shalt  }
0x4f: {  	_ =	shalt  }
0x50: {  	_ =	shalt  }
0x51: {  	_ =	shalt  }
0x52: {  	_ =	shalt  }
0x53: {  	_ =	shalt  }
0x54: {  	_ =	shalt  }
0x55: {  	_ =	shalt  }
0x56: {  	_ =	shalt  }
0x57: {  	_ =	shalt  }
0x58: {  	_ =	shalt  }
0x59: {  	_ =	shalt  }
0x5a: {  	_ =	shalt  }
0x5b: {  	_ =	shalt  }
0x5c: {  	_ =	shalt  }
0x5d: {  	_ =	shalt  }
0x5e: {  	_ =	shalt  }
0x5f: {  	_ =	shalt  }
0x60: {  	_ =	shalt  }
0x61: {  	_ =	shalt  }
0x62: {  	_ =	shalt  }
0x63: {  	_ =	shalt  }
0x64: {  	_ =	shalt  }
0x65: {  	_ =	shalt  }
0x66: {  	_ =	shalt  }
0x67: {  	_ =	shalt  }
0x68: {  	_ =	shalt  }
0x69: {  	_ =	shalt  }
0x6a: {  	_ =	shalt  }
0x6b: {  	_ =	shalt  }
0x6c: {  	_ =	shalt  }
0x6d: {  	_ =	shalt  }
0x6e: {  	_ =	shalt  }
0x6f: {  	_ =	shalt  }
0x70: {  	_ =	shalt  }
0x71: {  	_ =	shalt  }
0x72: {  	_ =	shalt  }
0x73: {  	_ =	shalt  }
0x74: {  	_ =	shalt  }
0x75: {  	_ =	shalt  }
0x76: {  	_ =	shalt  }
0x77: {  	_ =	shalt  }
0x78: {  	_ =	shalt  }
0x79: {  	_ =	shalt  }
0x7a: {  	_ =	shalt  }
0x7b: {  	_ =	shalt  }
0x7c: {  	_ =	shalt  }
0x7d: {  	_ =	shalt  }
0x7e: {  	_ =	shalt  }
0x7f: {  	_ =	shalt  }
0x80: {  	_ =	shalt  }
0x81: {  	_ =	shalt  }
0x82: {  	_ =	shalt  }
0x83: {  	_ =	shalt  }
0x84: {  	_ =	shalt  }
0x85: {  	_ =	shalt  }
0x86: {  	_ =	shalt  }
0x87: {  	_ =	shalt  }
.Lfunc_end0:
.L_simem_size_0:
called_computation_lowered:
.L_overlay_start_0:
0x88: {  	s2 =	sld [smem:$0x3FD9]  }
0x89: {  	s3 =	sld [smem:$0x3FFE];
	_ =	sdelay $0x1  }
0x8a: {  	s1 =	srdreg.scid  }
0x8b: {  	s0 =	sand.u32 $0x1, s1  }
0x8c: {  	s17 =	sshll.u32 s0, $0xA;
	s2 =	sadd.s32 s3, s2  }
0x8d: {  	s2 =	sadd.s32 s2, s17  }
0x8e: {  	[smem:$0x3FC5] =	sst s2  }
0x8f: {  	_ = 	snop  }
0x90: {  	s2 =	sld [smem:$0x3FC7]  }
0x91: {  	s18 =	sld [smem:$0x3FD0];
	(tm) =	ssettm $0x1  }
0x92: {  	s4 =	sld [smem:$0x3FFB];
	_ =	sdelay $0x3  }
0x93: {  	_ =	strace s4  }
0x94: {  	s4 =	sld [smem:$0x3FFC];
	_ =	sdelay $0x3  }
0x95: {  	_ =	strace s4  }
0x96: {  	s4 =	sld [smem:$0x3FFD];
	_ =	sdelay $0x3  }
0x97: {  	_ =	strace s4  }
0x98: {  	_ =	strace $0x8FFFFFFF  }
0x99: {  	s19 =	sld [smem:$0x3FDB];
	_ =	sdelay $0x1  }
0x9a: {  	s5 =	simm.s32 $_scs_section_size  }
0x9b: {  	s6 =	simm.s32 $_size__tile_overlayer_lowered;
	s7 =	simm.s32 $_tile_overlayer_lowered  }
0x9c: {  	s22 =	simm.s32 $0x1BFF;
	s21 =	sshll.u32 s7, $0x1;
	s4 =	sadd.s32 s5, s19  }
0x9d: {  	s8 =	simm.s32 $0x0;
	s20 =	sshll.u32 s6, $0x1;
	s6 =	sadd.s32 s21, s4  }
0x9e: {  	[timem:s8], [sflag:s22] =	dma.local [hbm:s6], s20  }
0x9f: {  	_ =	swait.ge [sflag:s22], s20  }
0xa0: {  	s5 =	ssub.s32 $0x0, s20;
	[sflag:s22] =	ssyncset.done $0x0  }
0xa1: {  	[sflag:s22] =	ssyncadd.s32 s5;
	_ =	sdelay $0x1  }
0xa2: {  	s23 =	simm.s32 $0x1B8B  }
0xa3: {  	_ =	swait.ge [sflag:s23], $0x1  }
0xa4: {  	[sflag:s23] =	ssyncset.done $0x0  }
0xa5: {  	s25 =	simm.s32 $0x1B8E;
	s24 =	sld [smem:$0x3FFE];
	[sflag:s23] =	ssyncadd.s32 $0xFFFFFFFF  }
0xa6: {  	s26 =	simm.s32 $execute0_lowered;
	[smem:$0x3FD2] =	sst s25  }
0xa7: {  	s6 =	sshll.u32 s26, $0x1;
	_ =	strace $0x80000046;
	[dreg:$0x1] =	wrdreg $0xFFFFFFFF  }
0xa8: {  	s28 =	simm.s32 $_size_execute0_lowered;
	s4 =	sadd.s32 s4, s6;
	[dreg:$0x0] =	wrdreg $0x0  }
0xa9: {  	s6 =	sshll.u32 s28, $0x1;
	[dreg:$0x2] =	wrdreg s4  }
0xaa: {  	[dreg:$0x3] =	wrdreg s6  }
0xab: {  	[dreg:$0x4] =	wrdreg $0xC0  }
0xac: {  	_ =	task [dreg:s8], $0x5FFFF  }
0xad: {  	[dreg:$0x1] =	wrdreg $0xFFFFFFFF  }
0xae: {  	[dreg:$0x0] =	wrdreg $0x60  }
0xaf: {  	[dreg:$0x2] =	wrdreg s2  }
0xb0: {  	[dreg:$0x3] =	wrdreg s24  }
0xb1: {  	[dreg:$0x4] =	wrdreg s18  }
0xb2: {  	[dreg:$0x5] =	wrdreg $0x9  }
0xb3: {  	_ =	task.clear_ibuf [dreg:s8], $0x6FFFF;
	_ =	strace $0x90000046  }
0xb4: {  	s29 =	simm.s32 $0x9;
	_ =	strace $0x80000048  }
0xb5: {  	_ =	swait.ge [sflag:s29], $0x1  }
0xb6: {  	[sflag:s29] =	ssyncadd.s32 $0xFFFFFFFF  }
0xb7: {  	_ =	strace $0x90000048  }
0xb8: {  	_ =	sfence  }
0xb9: {  	s30 =	sld [smem:$0x0];
	_ =	sdelay $0x2  }
0xba: {  	s31 =	sshll.u32 s1, $0xD;
	s1 =	sshrl.u32 s1, $0x2  }
0xbb: {  	s3 =	sand.u32 $0x4000, s31;
	s1 =	sadd.s32 s1, s30  }
0xbc: {  	s0 =	sor.u32 s3, s0;
	s1 =	sshll.u32 s1, $0x11  }
0xbd: {  	s0 =	sor.u32 s1, s0  }
0xbe: {  	s0 =	sadd.s32 $0x8F2B, s0  }
0xbf: {  	[sflag:s0] =	ssyncadd.remote.s32 $0x1  }
0xc0: {  	_ =	sfence.sel $0xFFFF  }
0xc1: {  	[dreg:$0x0] =	wrdreg $0xFFFFFFFF;
	(pc) =	sbr.abs _section_cstart, $3  }
0xc2: {  	[dreg:$0x1] =	wrdreg $0xFFFFFFFF  }
0xc3: {  	_ =	task.clear_ibuf [dreg:s8], $0x2FFFF;
	_ =	strace $0x9FFFFFFF  }
0xc4: {  	(tm) =	ssettm $0x7FFFFFFF  }
0xc5: {  	_ =	shalt  }
tec
execute0_lowered:
.L_overlay_start_1:
0x0: {  	(tag) =	ssettag $0x1  }
0x1: {  	s1 =	rddreg [dreg:$0x0]  }
0x2: {  	s0 =	rddreg [dreg:$0x1]  }
0x3: {  	s3 =	rddreg [dreg:$0x2]  }
0x4: {  	s2 =	srdreg.scid;
	s5 =	stileid.u32;
	s4 =	simm.s32 $0x0  }
0x5: {  	s12 =	simm.s32 $0x5;
	s14 =	simm.s32 $0x80;
	s15 =	simm.s32 $0x400  }
0x6: {  	s17 =	simm.s32 $0x1000;
	s18 =	simm.s32 $0x1800;
	s19 =	simm.s32 $0x1  }
0x7: {  	s20 =	simm.s32 $0x2000;
	s21 =	simm.s32 $0x2;
	s22 =	simm.s32 $0x2800  }
0x8: {  	s23 =	simm.s32 $0x3;
	s24 =	simm.s32 $0x4;
	s25 =	simm.s32 $0x0  }
0x9: {  	s2 =	sand.u32 $0x1, s2;
	s5 =	sshll.u32 s5, $0x8;
	[smem:$0x7FF] =	sst s4  }
.Ltmp0:
0xa: {  	s6 =	sshll.u32 s2, $0x7;
	s2 =	ssub.s32 $0x2, s2;
	(pc) =	sbr.rel .LBB2_1-.Ltmp0, $4  }
0xb: {  	_ =	strace $0x80000047;
	s5 =	sor.u32 s6, s5;
	s31 =	sshrl.u32 s2, $0x1  }
0xc: {  	s6 =	sshll.u32 s5, $0x4;
	s7 =	sshll.u32 s5, $0x8;
	s2 =	ssub.s32 s2, s31  }
0xd: {  	s0 =	sadd.s32 s6, s0;
	s7 =	sadd.s32 s1, s7;
	s10 =	smax.u32 s2, $0x1  }
0xe: {  	s6 =	sadd.s32 $0x1200, s0;
	s8 =	sadd.s32 $0x11200, s0;
	s9 =	sadd.s32 $0x10, s7  }
.LBB2_8:
0xf: {  	s25 =	sadd.s32 $0x1, s25  }
0x10: {  	_ =	swait.ge [sflag:s23], $0x800;
	p0 =	sne.s32 s25, s10  }
.Ltmp1:
0x11: {  	[sflag:s23] =	ssyncset.done $0x0;
	(pc) =	sbr.rel @!p0 .LBB2_9-.Ltmp1, $4  }
0x12: {  	[sflag:s23] =	ssyncadd.s32 $0xFFFFF800  }
0x13: {  	_ =	swait.ge [sflag:s24], $0x800  }
0x14: {  	[sflag:s24] =	ssyncset.done $0x0  }
0x15: {  	[sflag:s24] =	ssyncadd.s32 $0xFFFFF800  }
.LBB2_1:
0x16: {  	s0 =	simm.s32 $0x3000  }
0x17: {  	[tilespmem:s0], [sflag:$0x5] =	stream.linear.gather [hbm4b:s6+s4], $0x4000, $0x38;
	[tilespmem:$0xB000] =	vst v63  }
0x18: {  	_ =	swait.ge [sflag:s12], $0x4000  }
0x19: {  	[sflag:s12] =	ssyncset.done $0x0  }
0x1a: {  	s30 =	simm.s32 $0x7000;
	[sflag:s12] =	ssyncadd.s32 $0xFFFFC000  }
0x1b: {  	[tilespmem:s30], [sflag:$0x5] =	stream.linear.gather [hbm4b:s8+s4], $0x4000, $0x38;
	[tilespmem:$0xB000] =	vst v63  }
0x1c: {  	_ =	swait.ge [sflag:s12], $0x4000  }
0x1d: {  	[sflag:s12] =	ssyncset.done $0x0  }
0x1e: {  	[sflag:s12] =	ssyncadd.s32 $0xFFFFC000  }
0x1f: {  	[tilespmem:s4], [sflag:$0x1] =	stream.strided.gather [hbm4b:s7+s14], $0x800, s15, s14, $0x38;
	[tilespmem:$0xB000] =	vst v63  }
0x20: {  	s31 =	simm.s32 $0x800  }
0x21: {  	[tilespmem:s31], [sflag:$0x1] =	stream.strided.gather [hbm4b:s7+s14], $0x800, s15, s14, $0x38;
	[tilespmem:$0xB000] =	vst v63  }
0x22: {  	_ = 	snop  }
0x23: {  	[tilespmem:s17], [sflag:$0x2] =	stream.strided.gather [hbm4b:s9+s14], $0x800, s15, s14, $0x38;
	[tilespmem:$0xB000] =	vst v63  }
0x24: {  	s26 =	simm.s32 $0x0  }
0x25: {  	[tilespmem:s18], [sflag:$0x2] =	stream.strided.gather [hbm4b:s9+s14], $0x800, s15, s14, $0x38;
	[tilespmem:$0xB000] =	vst v63  }
.LBB2_2:
0x26: {  	_ =	swait.ge [sflag:s19], $0x800  }
0x27: {  	[sflag:s19] =	ssyncset.done $0x0  }
0x28: {  	[sflag:s19] =	ssyncadd.s32 $0xFFFFF800  }
0x29: {  	_ =	swait.ge [sflag:s19], $0x800  }
0x2a: {  	p0 =	seq.s32 s26, $0x0;
	[sflag:s19] =	ssyncset.done $0x0  }
0x2b: {  	s0 =	simm.s32 @!p0 $0x3;
	[sflag:s19] =	ssyncadd.s32 $0xFFFFF800  }
0x2c: {  	_ =	swait.ge @!p0 [sflag:s0], $0x800  }
0x2d: {  	[sflag:s0] =	ssyncset.done @!p0 $0x0  }
0x2e: {  	s16 =	sshll.u32 s26, $0x8;
	[sflag:s0] =	ssyncadd.s32 @!p0 $0xFFFFF800  }
0x2f: {  	v0 =	vld [tilespmem:s16+$0x7000];
	_ =	sdelay $0x4  }
0x30: {  	v0 =	vshll.u32 v0, $0x2  }
0x31: {  	v0 =	vshra.s32 v0, $0x2  }
0x32: {  	v0 =	vadd.s32 $0x10, v0  }
0x33: {  	(v2sf) =	vpush v0, $0x6  }
0x34: {  	(v2sf) =	vpush v0, $0x5  }
0x35: {  	(v2sf) =	vpush v0, $0x4  }
0x36: {  	(v2sf) =	vpush v0, $0x3  }
0x37: {  	(v2sf) =	vpush v0, $0x2  }
0x38: {  	(v2sf) =	vpush v0, $0x1  }
0x39: {  	(v2sf) =	vpush v0, $0x0;
	_ =	sdelay $0x8  }
0x3a: {  	s2 =	spop (v2sf)  }
0x3b: {  	s11 =	spop (v2sf)  }
0x3c: {  	s29 =	spop (v2sf)  }
0x3d: {  	s30 =	spop (v2sf)  }
0x3e: {  	s28 =	spop (v2sf)  }
0x3f: {  	s31 =	spop (v2sf)  }
0x40: {  	s13 =	spop (v2sf);
	v1 =	vmov s31  }
0x41: {  	v0 =	vmov s13;
	_ =	sdelay $0x1  }
0x42: {  	v2 =	vmov s28  }
0x43: {  	v13 =	vld [tilespmem:s16+$0x3000];
	s28 =	simm.s32 $0x0  }
0x44: {  	v3 =	vmov s30;
	v11 =	vld.idx.msk [tilespmem:v1+s28+$0xFFFFFFF0 ss:$0x1], $0xffff  }
0x45: {  	v10 =	vld.idx.msk [tilespmem:v0+s28+$0xFFFFFFF0 ss:$0x1], $0xffff  }
0x46: {  	v4 =	vmov s29  }
0x47: {  	v12 =	vld.idx.msk [tilespmem:v2+s28+$0xFFFFFFF0 ss:$0x1], $0xffff  }
0x48: {  	v5 =	vbroadcast v13, $0x0;
	v6 =	vbroadcast v13, $0x1;
	v7 =	vmov s11  }
0x49: {  	v8 =	vbroadcast v13, $0x2;
	v14 =	vld.idx.msk [tilespmem:v3+s28+$0xFFFFFFF0 ss:$0x1], $0xffff  }
0x4a: {  	v9 =	vmov s2;
	v11 =	vmul.f32 v11, v6;
	v15 =	vmul.f32 v10, v5  }
0x4b: {  	v16 =	vld.idx.msk [tilespmem:v4+s28+$0xFFFFFFF0 ss:$0x1], $0xffff  }
0x4c: {  	v12 =	vmul.f32 v12, v8;
	v10 =	vbroadcast v13, $0x3;
	v15 =	vadd.f32 v11, v15  }
0x4d: {  	v17 =	vld.idx.msk [tilespmem:v7+s28+$0xFFFFFFF0 ss:$0x1], $0xffff  }
0x4e: {  	v11 =	vbroadcast v13, $0x4;
	v14 =	vmul.f32 v14, v10;
	v15 =	vadd.f32 v12, v15  }
0x4f: {  	v18 =	vld.idx.msk [tilespmem:v9+s28+$0xFFFFFFF0 ss:$0x1], $0xffff  }
0x50: {  	v12 =	vbroadcast v13, $0x5;
	v14 =	vadd.f32 v14, v15;
	v15 =	vmul.f32 v16, v11;
	_ =	sdelay $0x1  }
0x51: {  	v13 =	vbroadcast v13, $0x6;
	v14 =	vadd.f32 v15, v14;
	v15 =	vmul.f32 v17, v12;
	_ =	sdelay $0x1  }
0x52: {  	v14 =	vadd.f32 v15, v14;
	v15 =	vmul.f32 v18, v13;
	_ =	sdelay $0x1  }
0x53: {  	v14 =	vadd.f32 v15, v14;
	_ =	sdelay $0x1  }
0x54: {  	[tilespmem:s28+$0x2000] =	vst v14  }
0x55: {  	v14 =	vld.idx.msk [tilespmem:v0+s28+$0x0 ss:$0x1], $0xffff  }
0x56: {  	v15 =	vld.idx.msk [tilespmem:v1+s28+$0x0 ss:$0x1], $0xffff;
	_ =	sdelay $0x1  }
0x57: {  	v16 =	vld.idx.msk [tilespmem:v2+s28+$0x0 ss:$0x1], $0xffff;
	_ =	sdelay $0x1  }
0x58: {  	v17 =	vld.idx.msk [tilespmem:v3+s28+$0x0 ss:$0x1], $0xffff  }
0x59: {  	v14 =	vmul.f32 v14, v5;
	v15 =	vmul.f32 v15, v6  }
0x5a: {  	v63 =	vld.idx.msk [tilespmem:v4+s28+$0x0 ss:$0x1], $0xffff  }
0x5b: {  	v16 =	vmul.f32 v16, v8;
	v14 =	vadd.f32 v15, v14  }
0x5c: {  	v15 =	vld.idx.msk [tilespmem:v7+s28+$0x0 ss:$0x1], $0xffff  }
0x5d: {  	v17 =	vmul.f32 v17, v10;
	v14 =	vadd.f32 v16, v14  }
0x5e: {  	v16 =	vld.idx.msk [tilespmem:v9+s28+$0x0 ss:$0x1], $0xffff  }
0x5f: {  	v18 =	vmul.f32 v63, v11;
	v14 =	vadd.f32 v17, v14  }
0x60: {  	s29 =	sshll.u32 s26, $0x1  }
0x61: {  	s16 =	sshll.u32 s26, $0x5;
	s30 =	sor.u32 s5, s29;
	v15 =	vmul.f32 v15, v12;
	v17 =	vadd.f32 v18, v14  }
0x62: {  	s0 =	sand.u32 $0x60, s16;
	s13 =	sshll.u32 s30, $0x8  }
0x63: {  	s2 =	simm.s32 $0x0;
	s11 =	simm.s32 $0x0;
	s31 =	sand.u32 $0xFF800, s13;
	v14 =	vmul.f32 v16, v13;
	v15 =	vadd.f32 v15, v17  }
.LBB2_3:
0x64: {  	s11 =	sadd.s32 $0x2, s11;
	s2 =	sadd.s32 $0x80, s2  }
0x65: {  	p1 =	slt.u32 s11, $0x7E;
	v14 =	vadd.f32 v14, v15  }
0x66: {  	s13 =	sshra.s32 s2, $0x2  }
0x67: {  	[tilespmem:s28+$0x2010] =	vst v14;
	s28 =	smov.u32 s13  }
0x68: {  	v14 =	vld.idx.msk [tilespmem:v0+s28+$0xFFFFFFF0 ss:$0x1], $0xffff  }
0x69: {  	v15 =	vld.idx.msk [tilespmem:v1+s28+$0xFFFFFFF0 ss:$0x1], $0xffff;
	_ =	sdelay $0x1  }
0x6a: {  	v16 =	vld.idx.msk [tilespmem:v2+s28+$0xFFFFFFF0 ss:$0x1], $0xffff;
	_ =	sdelay $0x1  }
0x6b: {  	v17 =	vld.idx.msk [tilespmem:v3+s28+$0xFFFFFFF0 ss:$0x1], $0xffff;
	_ =	sdelay $0x1  }
0x6c: {  	v14 =	vmul.f32 v14, v5;
	v15 =	vmul.f32 v15, v6;
	v18 =	vld.idx.msk [tilespmem:v4+s28+$0xFFFFFFF0 ss:$0x1], $0xffff;
	_ =	sdelay $0x1  }
0x6d: {  	v14 =	vadd.f32 v15, v14;
	v15 =	vmul.f32 v16, v8;
	v16 =	vld.idx.msk [tilespmem:v7+s28+$0xFFFFFFF0 ss:$0x1], $0xffff;
	_ =	sdelay $0x1  }
0x6e: {  	v14 =	vadd.f32 v15, v14;
	v15 =	vmul.f32 v17, v10;
	v17 =	vld.idx.msk [tilespmem:v9+s28+$0xFFFFFFF0 ss:$0x1], $0xffff;
	_ =	sdelay $0x1  }
0x6f: {  	v14 =	vadd.f32 v15, v14;
	v15 =	vmul.f32 v18, v11;
	_ =	sdelay $0x1  }
0x70: {  	v14 =	vadd.f32 v15, v14;
	v15 =	vmul.f32 v16, v12;
	_ =	sdelay $0x1  }
0x71: {  	v14 =	vadd.f32 v15, v14;
	v15 =	vmul.f32 v17, v13;
	_ =	sdelay $0x1  }
0x72: {  	v14 =	vadd.f32 v15, v14;
	_ =	sdelay $0x1  }
0x73: {  	[tilespmem:s28+$0x2000] =	vst v14  }
0x74: {  	v14 =	vld.idx.msk [tilespmem:v0+s28+$0x0 ss:$0x1], $0xffff  }
0x75: {  	v15 =	vld.idx.msk [tilespmem:v1+s28+$0x0 ss:$0x1], $0xffff  }
0x76: {  	v16 =	vld.idx.msk [tilespmem:v2+s28+$0x0 ss:$0x1], $0xffff  }
0x77: {  	v17 =	vld.idx.msk [tilespmem:v3+s28+$0x0 ss:$0x1], $0xffff  }
0x78: {  	v18 =	vld.idx.msk [tilespmem:v4+s28+$0x0 ss:$0x1], $0xffff  }
0x79: {  	v19 =	vld.idx.msk [tilespmem:v7+s28+$0x0 ss:$0x1], $0xffff  }
0x7a: {  	v14 =	vmul.f32 v14, v5;
	v20 =	vld.idx.msk [tilespmem:v9+s28+$0x0 ss:$0x1], $0xffff  }
0x7b: {  	v15 =	vmul.f32 v15, v6  }
0x7c: {  	v16 =	vmul.f32 v16, v8  }
0x7d: {  	v14 =	vadd.f32 v15, v14  }
0x7e: {  	v15 =	vmul.f32 v17, v10  }
0x7f: {  	v14 =	vadd.f32 v16, v14  }
0x80: {  	v16 =	vmul.f32 v18, v11  }
.Ltmp2:
0x81: {  	v14 =	vadd.f32 v15, v14;
	(pc) =	sbr.rel @p1 .LBB2_3-.Ltmp2, $4  }
0x82: {  	v15 =	vmul.f32 v19, v12  }
0x83: {  	v16 =	vadd.f32 v16, v14  }
0x84: {  	v14 =	vmul.f32 v20, v13  }
0x85: {  	v15 =	vadd.f32 v15, v16  }
0x86: {  	_ = 	snop  }
0x87: {  	v0 =	vadd.f32 v14, v15  }
0x88: {  	s0 =	sadd.s32 s3, s0  }
0x89: {  	p1 =	seq.s32 s26, $0x3F;
	s0 =	sadd.s32 s31, s0;
	[tilespmem:s28+$0x2010] =	vst v0  }
0x8a: {  	[hbm4b:s0+s14] =	stream.strided.scatter [tilespmem:s20], [sflag:$0x3], $0x800, s15, s14, $0x38;
	[tilespmem:$0xB000] =	vst v63  }
0x8b: {  	s0 =	sadd.s32 @!p1 $0x2, s30  }
0x8c: {  	s2 =	sshll.u32 @!p1 s0, $0x4  }
0x8d: {  	s0 =	sshll.u32 @!p1 s0, $0x8;
	s2 =	sand.u32 @!p1 $0x60, s2  }
0x8e: {  	s11 =	simm.s32 @!p1 $0x400;
	s0 =	sand.u32 @!p1 $0xFFFF800, s0;
	s2 =	sadd.s32 @!p1 s1, s2  }
0x8f: {  	s13 =	simm.s32 @!p1 $0x0;
	s0 =	sadd.s32 @!p1 s0, s2;
	s2 =	simm.s32 @!p1 $0x80  }
0x90: {  	[tilespmem:s13], [sflag:$0x1] =	stream.strided.gather @!p1 [hbm4b:s0+s2], $0x800, s11, s2, $0x38;
	[tilespmem:$0xB000] =	vst v63  }
0x91: {  	s13 =	simm.s32 @!p1 $0x800  }
0x92: {  	[tilespmem:s13], [sflag:$0x1] =	stream.strided.gather @!p1 [hbm4b:s0+s2], $0x800, s11, s2, $0x38;
	[tilespmem:$0xB000] =	vst v63  }
0x93: {  	_ =	swait.ge [sflag:s21], $0x800  }
0x94: {  	[sflag:s21] =	ssyncset.done $0x0  }
0x95: {  	[sflag:s21] =	ssyncadd.s32 $0xFFFFF800  }
0x96: {  	_ =	swait.ge [sflag:s21], $0x800  }
0x97: {  	[sflag:s21] =	ssyncset.done $0x0  }
0x98: {  	s2 =	simm.s32 @!p0 $0x4;
	[sflag:s21] =	ssyncadd.s32 $0xFFFFF800  }
0x99: {  	_ =	swait.ge @!p0 [sflag:s2], $0x800  }
0x9a: {  	s0 =	sor.u32 $0x1, s29;
	[sflag:s2] =	ssyncset.done @!p0 $0x0  }
0x9b: {  	[sflag:s2] =	ssyncadd.s32 @!p0 $0xFFFFF800;
	s2 =	sshll.u32 s0, $0x7  }
0x9c: {  	v0 =	vld [tilespmem:s2+$0x7000];
	_ =	sdelay $0x4  }
0x9d: {  	v0 =	vshll.u32 v0, $0x2  }
0x9e: {  	v0 =	vshra.s32 v0, $0x2  }
0x9f: {  	v0 =	vadd.s32 $0x1010, v0  }
0xa0: {  	(v2sf) =	vpush v0, $0x6  }
0xa1: {  	(v2sf) =	vpush v0, $0x5  }
0xa2: {  	(v2sf) =	vpush v0, $0x4  }
0xa3: {  	(v2sf) =	vpush v0, $0x3  }
0xa4: {  	(v2sf) =	vpush v0, $0x2  }
0xa5: {  	(v2sf) =	vpush v0, $0x1  }
0xa6: {  	(v2sf) =	vpush v0, $0x0;
	_ =	sdelay $0x8  }
0xa7: {  	s11 =	spop (v2sf)  }
0xa8: {  	s13 =	spop (v2sf)  }
0xa9: {  	s29 =	spop (v2sf)  }
0xaa: {  	s30 =	spop (v2sf)  }
0xab: {  	s28 =	spop (v2sf)  }
0xac: {  	s31 =	spop (v2sf)  }
0xad: {  	s16 =	spop (v2sf);
	v1 =	vmov s31  }
0xae: {  	v0 =	vmov s16;
	_ =	sdelay $0x1  }
0xaf: {  	v2 =	vmov s28  }
0xb0: {  	v13 =	vld [tilespmem:s2+$0x3000];
	s28 =	simm.s32 $0x0  }
0xb1: {  	v3 =	vmov s30;
	v11 =	vld.idx.msk [tilespmem:v1+s28+$0xFFFFFFF0 ss:$0x1], $0xffff  }
0xb2: {  	v10 =	vld.idx.msk [tilespmem:v0+s28+$0xFFFFFFF0 ss:$0x1], $0xffff  }
0xb3: {  	v4 =	vmov s29  }
0xb4: {  	v12 =	vld.idx.msk [tilespmem:v2+s28+$0xFFFFFFF0 ss:$0x1], $0xffff  }
0xb5: {  	v5 =	vbroadcast v13, $0x0;
	v6 =	vbroadcast v13, $0x1;
	v7 =	vmov s13  }
0xb6: {  	v8 =	vbroadcast v13, $0x2;
	v14 =	vld.idx.msk [tilespmem:v3+s28+$0xFFFFFFF0 ss:$0x1], $0xffff  }
0xb7: {  	v9 =	vmov s11;
	v11 =	vmul.f32 v11, v6;
	v15 =	vmul.f32 v10, v5  }
0xb8: {  	v16 =	vld.idx.msk [tilespmem:v4+s28+$0xFFFFFFF0 ss:$0x1], $0xffff  }
0xb9: {  	v12 =	vmul.f32 v12, v8;
	v10 =	vbroadcast v13, $0x3;
	v15 =	vadd.f32 v11, v15  }
0xba: {  	v17 =	vld.idx.msk [tilespmem:v7+s28+$0xFFFFFFF0 ss:$0x1], $0xffff  }
0xbb: {  	v11 =	vbroadcast v13, $0x4;
	v14 =	vmul.f32 v14, v10;
	v15 =	vadd.f32 v12, v15  }
0xbc: {  	v18 =	vld.idx.msk [tilespmem:v9+s28+$0xFFFFFFF0 ss:$0x1], $0xffff  }
0xbd: {  	v12 =	vbroadcast v13, $0x5;
	v14 =	vadd.f32 v14, v15;
	v15 =	vmul.f32 v16, v11;
	_ =	sdelay $0x1  }
0xbe: {  	v13 =	vbroadcast v13, $0x6;
	v14 =	vadd.f32 v15, v14;
	v15 =	vmul.f32 v17, v12;
	_ =	sdelay $0x1  }
0xbf: {  	v14 =	vadd.f32 v15, v14;
	v15 =	vmul.f32 v18, v13;
	_ =	sdelay $0x1  }
0xc0: {  	v14 =	vadd.f32 v15, v14;
	_ =	sdelay $0x1  }
0xc1: {  	[tilespmem:s28+$0x2800] =	vst v14  }
0xc2: {  	v14 =	vld.idx.msk [tilespmem:v0+s28+$0x0 ss:$0x1], $0xffff  }
0xc3: {  	v15 =	vld.idx.msk [tilespmem:v1+s28+$0x0 ss:$0x1], $0xffff;
	_ =	sdelay $0x1  }
0xc4: {  	v16 =	vld.idx.msk [tilespmem:v2+s28+$0x0 ss:$0x1], $0xffff;
	_ =	sdelay $0x1  }
0xc5: {  	v17 =	vld.idx.msk [tilespmem:v3+s28+$0x0 ss:$0x1], $0xffff  }
0xc6: {  	v14 =	vmul.f32 v14, v5;
	v15 =	vmul.f32 v15, v6  }
0xc7: {  	v63 =	vld.idx.msk [tilespmem:v4+s28+$0x0 ss:$0x1], $0xffff  }
0xc8: {  	v16 =	vmul.f32 v16, v8;
	v14 =	vadd.f32 v15, v14  }
0xc9: {  	v15 =	vld.idx.msk [tilespmem:v7+s28+$0x0 ss:$0x1], $0xffff  }
0xca: {  	v17 =	vmul.f32 v17, v10;
	v14 =	vadd.f32 v16, v14  }
0xcb: {  	v16 =	vld.idx.msk [tilespmem:v9+s28+$0x0 ss:$0x1], $0xffff  }
0xcc: {  	v18 =	vmul.f32 v63, v11;
	v14 =	vadd.f32 v17, v14;
	_ =	sdelay $0x1  }
0xcd: {  	s29 =	sor.u32 s5, s0;
	v15 =	vmul.f32 v15, v12;
	v17 =	vadd.f32 v18, v14  }
0xce: {  	s2 =	simm.s32 $0x0;
	s0 =	sshll.u32 s0, $0x4;
	s31 =	sshll.u32 s29, $0x8  }
0xcf: {  	s11 =	simm.s32 $0x0;
	s0 =	sand.u32 $0x70, s0;
	s30 =	sand.u32 $0xFF800, s31;
	v14 =	vmul.f32 v16, v13;
	v15 =	vadd.f32 v15, v17  }
.LBB2_5:
0xd0: {  	s11 =	sadd.s32 $0x2, s11;
	s2 =	sadd.s32 $0x80, s2  }
0xd1: {  	p0 =	slt.u32 s11, $0x7E;
	v14 =	vadd.f32 v14, v15  }
0xd2: {  	s13 =	sshra.s32 s2, $0x2  }
0xd3: {  	[tilespmem:s28+$0x2810] =	vst v14;
	s28 =	smov.u32 s13  }
0xd4: {  	v14 =	vld.idx.msk [tilespmem:v0+s28+$0xFFFFFFF0 ss:$0x1], $0xffff  }
0xd5: {  	v15 =	vld.idx.msk [tilespmem:v1+s28+$0xFFFFFFF0 ss:$0x1], $0xffff;
	_ =	sdelay $0x1  }
0xd6: {  	v16 =	vld.idx.msk [tilespmem:v2+s28+$0xFFFFFFF0 ss:$0x1], $0xffff;
	_ =	sdelay $0x1  }
0xd7: {  	v17 =	vld.idx.msk [tilespmem:v3+s28+$0xFFFFFFF0 ss:$0x1], $0xffff;
	_ =	sdelay $0x1  }
0xd8: {  	v14 =	vmul.f32 v14, v5;
	v15 =	vmul.f32 v15, v6;
	v18 =	vld.idx.msk [tilespmem:v4+s28+$0xFFFFFFF0 ss:$0x1], $0xffff;
	_ =	sdelay $0x1  }
0xd9: {  	v14 =	vadd.f32 v15, v14;
	v15 =	vmul.f32 v16, v8;
	v16 =	vld.idx.msk [tilespmem:v7+s28+$0xFFFFFFF0 ss:$0x1], $0xffff;
	_ =	sdelay $0x1  }
0xda: {  	v14 =	vadd.f32 v15, v14;
	v15 =	vmul.f32 v17, v10;
	v17 =	vld.idx.msk [tilespmem:v9+s28+$0xFFFFFFF0 ss:$0x1], $0xffff;
	_ =	sdelay $0x1  }
0xdb: {  	v14 =	vadd.f32 v15, v14;
	v15 =	vmul.f32 v18, v11;
	_ =	sdelay $0x1  }
0xdc: {  	v14 =	vadd.f32 v15, v14;
	v15 =	vmul.f32 v16, v12;
	_ =	sdelay $0x1  }
0xdd: {  	v14 =	vadd.f32 v15, v14;
	v15 =	vmul.f32 v17, v13;
	_ =	sdelay $0x1  }
0xde: {  	v14 =	vadd.f32 v15, v14;
	_ =	sdelay $0x1  }
0xdf: {  	[tilespmem:s28+$0x2800] =	vst v14  }
0xe0: {  	v14 =	vld.idx.msk [tilespmem:v0+s28+$0x0 ss:$0x1], $0xffff  }
0xe1: {  	v15 =	vld.idx.msk [tilespmem:v1+s28+$0x0 ss:$0x1], $0xffff  }
0xe2: {  	v16 =	vld.idx.msk [tilespmem:v2+s28+$0x0 ss:$0x1], $0xffff  }
0xe3: {  	v17 =	vld.idx.msk [tilespmem:v3+s28+$0x0 ss:$0x1], $0xffff  }
0xe4: {  	v18 =	vld.idx.msk [tilespmem:v4+s28+$0x0 ss:$0x1], $0xffff  }
0xe5: {  	v19 =	vld.idx.msk [tilespmem:v7+s28+$0x0 ss:$0x1], $0xffff  }
0xe6: {  	v14 =	vmul.f32 v14, v5;
	v20 =	vld.idx.msk [tilespmem:v9+s28+$0x0 ss:$0x1], $0xffff  }
0xe7: {  	v15 =	vmul.f32 v15, v6  }
0xe8: {  	v16 =	vmul.f32 v16, v8  }
0xe9: {  	v14 =	vadd.f32 v15, v14  }
0xea: {  	v15 =	vmul.f32 v17, v10  }
0xeb: {  	v14 =	vadd.f32 v16, v14  }
0xec: {  	v16 =	vmul.f32 v18, v11  }
.Ltmp3:
0xed: {  	v14 =	vadd.f32 v15, v14;
	(pc) =	sbr.rel @p0 .LBB2_5-.Ltmp3, $4  }
0xee: {  	v15 =	vmul.f32 v19, v12  }
0xef: {  	v16 =	vadd.f32 v16, v14  }
0xf0: {  	v14 =	vmul.f32 v20, v13  }
0xf1: {  	v15 =	vadd.f32 v15, v16  }
.Ltmp4:
0xf2: {  	_ = 	snop;
	(pc) =	sbr.rel @p1 .LBB2_8-.Ltmp4, $4  }
0xf3: {  	v0 =	vadd.f32 v14, v15  }
0xf4: {  	s0 =	sadd.s32 s3, s0  }
0xf5: {  	s0 =	sadd.s32 s30, s0;
	[tilespmem:s28+$0x2810] =	vst v0  }
0xf6: {  	[hbm4b:s0+s14] =	stream.strided.scatter [tilespmem:s22], [sflag:$0x4], $0x800, s15, s14, $0x38;
	[tilespmem:$0xB000] =	vst v63  }
0xf7: {  	s0 =	sadd.s32 $0x2, s29  }
0xf8: {  	s2 =	sshll.u32 s0, $0x4  }
0xf9: {  	s0 =	sshll.u32 s0, $0x8;
	s2 =	sand.u32 $0x70, s2  }
.Ltmp5:
0xfa: {  	s0 =	sand.u32 $0xFFFF800, s0;
	s2 =	sadd.s32 s1, s2;
	(pc) =	sbr.rel .LBB2_2-.Ltmp5, $4  }
0xfb: {  	s0 =	sadd.s32 s0, s2  }
0xfc: {  	[tilespmem:s17], [sflag:$0x2] =	stream.strided.gather [hbm4b:s0+s14], $0x800, s15, s14, $0x38;
	[tilespmem:$0xB000] =	vst v63  }
0xfd: {  	s26 =	sadd.s32 $0x1, s26  }
0xfe: {  	[tilespmem:s18], [sflag:$0x2] =	stream.strided.gather [hbm4b:s0+s14], $0x800, s15, s14, $0x38;
	[tilespmem:$0xB000] =	vst v63  }
.LBB2_9:
0xff: {  	_ =	sfence.sel $0x180000  }
0x100: {  	[bflag:$0x0] =	sbarrier.arrive $0xFFFF  }
0x101: {  	_ =	strace $0x90000047  }
0x102: {  	s0 =	stileid.u32;
	[bflag:$0x2] =	sbarrier.arrive $0xFFFF  }
0x103: {  	p0 =	sne.s32 s0, $0x0;
	s0 =	rddreg [dreg:$0x3]  }
0x104: {  	s0 =	sadd.s32 @!p0 $0x100000, s0  }
0x105: {  	[sflag:s0] =	ssyncadd.tile.s32 @!p0 $0x1;
	_ =	shalt  }
.Lfunc_end2:
_tile_overlayer_lowered:
.L_overlay_start_2:
0x106: {  	(tag) =	ssettag $0x2  }
0x107: {  	s0 =	rddreg [dreg:$0x0];
	s2 =	stileid.u32  }
0x108: {  	s1 =	rddreg [dreg:$0x1];
	p0 =	sne.s32 s2, $0x0  }
0x109: {  	s3 =	rddreg [dreg:$0x2];
	[bflag:$0x3] =	sbarrier.arrive $0xFFFF;
	s2 =	simm.s32 @!p0 $0x1C05  }
0x10a: {  	[timem:s3], [sflag:s2] =	dma.local @!p0 [hbm:s0], s1  }
0x10b: {  	s0 =	simm.s32 @!p0 $0x5  }
0x10c: {  	_ =	swait.ge @!p0 [sflag:s0], s1  }
0x10d: {  	s1 =	ssub.s32 @!p0 $0x0, s1;
	[sflag:s0] =	ssyncset.done @!p0 $0x0  }
0x10e: {  	[sflag:s0] =	ssyncadd.s32 @!p0 s1  }
0x10f: {  	[bflag:$0x3] =	sbarrier.arrive $0xFFFF  }
0x110: {  	_ =	shalt  }

</sc_bundles>
